<compile_context>
chip_gen: v7x
topology: tpu7x:2x2x1
jax: 0.10.2.dev20260603
libtpu: 0.0.44.dev20260713+nightly
codegen_flags: <defaults>
</compile_context>

<pallas_src>
import functools

import jax
import jax.numpy as jnp
from jax import lax
from jax.experimental import pallas as pl
from jax.experimental.pallas import tpu as pltpu
from jax.experimental.pallas import tpu_sc as plsc

N_EMB = 1024
DIM = 64
COMMITMENT_COST = 0.25

_ROWS = 1152


_SUB = 8


def _tc_body(x_ref, emb_ref, idx_ref, loss_ref):
    i = pl.program_id(0)
    emb = emb_ref[...]
    e2 = jnp.sum(emb * emb, axis=1, keepdims=True)

    @pl.when(i == 0)
    def _():
        loss_ref[...] = jnp.zeros_like(loss_ref)

    for j in range(_SUB):
        xt = x_ref[j]
        mm = jnp.dot(emb, xt, preferred_element_type=jnp.float32)
        x2 = jnp.sum(xt * xt, axis=0, keepdims=True)
        dist = e2 + x2 - 2.0 * mm
        mind = jnp.min(dist, axis=0, keepdims=True)
        code = jnp.broadcast_to(
            lax.broadcasted_iota(jnp.int32, (N_EMB, 1), 0).astype(jnp.float32),
            dist.shape,
        )
        idx_ref[j, 0, :] = jnp.min(
            jnp.where(dist == mind, code, jnp.float32(N_EMB)), axis=0
        ).astype(jnp.int32)
        loss_ref[...] += jnp.broadcast_to(jnp.sum(mind), (1, 1))


def _tc_argmin(xt3, embedding):
    b, d, t = xt3.shape
    n = b * t
    idx2d, loss_sum = pl.pallas_call(
        _tc_body,
        grid=(b // _SUB,),
        in_specs=[
            pl.BlockSpec((_SUB, d, t), lambda i: (i, 0, 0)),
            pl.BlockSpec((N_EMB, d), lambda i: (0, 0)),
        ],
        out_specs=[
            pl.BlockSpec((_SUB, 1, t), lambda i: (i, 0, 0)),
            pl.BlockSpec((1, 1), lambda i: (0, 0)),
        ],
        out_shape=[
            jax.ShapeDtypeStruct((b, 1, t), jnp.int32),
            jax.ShapeDtypeStruct((1, 1), jnp.float32),
        ],
    )(xt3, embedding)
    return idx2d.reshape(n), loss_sum[0, 0]


_SC_CHUNK = 128


def _sc_gather_fn(n_rows):
    info = plsc.get_sparse_core_info()
    nw = info.num_cores * info.num_subcores
    b_per_w = n_rows // nw
    n_chunks = b_per_w // _SC_CHUNK
    mesh = plsc.VectorSubcoreMesh(core_axis_name="c", subcore_axis_name="s")

    planes_per_w = b_per_w // 576

    @functools.partial(
        pl.kernel,
        mesh=mesh,
        out_type=jax.ShapeDtypeStruct((n_rows // 576, 576, DIM), jnp.float32),
        scratch_types=[
            pltpu.VMEM((n_chunks, _SC_CHUNK), jnp.int32),
            pltpu.VMEM((b_per_w, DIM), jnp.float32),
            pltpu.SemaphoreType.DMA,
        ],
        compiler_params=pltpu.CompilerParams(use_tc_tiling_on_sc=False),
    )
    def gather_k(table_hbm, idx_hbm, out_hbm, idx_v, rows_v, sem):
        wid = lax.axis_index("s") * info.num_cores + lax.axis_index("c")
        pltpu.sync_copy(idx_hbm.at[wid], idx_v)
        copies = [
            pltpu.async_copy(
                table_hbm.at[idx_v.at[j]],
                rows_v.at[pl.ds(j * _SC_CHUNK, _SC_CHUNK)],
                sem,
            )
            for j in range(n_chunks)
        ]
        for c in copies:
            c.wait()
        for p in range(planes_per_w):
            pltpu.sync_copy(
                rows_v.at[pl.ds(p * 576, 576)],
                out_hbm.at[wid * planes_per_w + p],
            )

    return gather_k


def kernel(x, embedding):
    n = x.shape[0] * x.shape[1]
    indices, loss_sum = _tc_argmin(jnp.transpose(x, (0, 2, 1)), embedding)
    idx2d = indices.reshape(32, n // (32 * _SC_CHUNK), _SC_CHUNK)
    quantized = _sc_gather_fn(n)(embedding, idx2d)
    loss = loss_sum * (COMMITMENT_COST / (n * DIM))
    return quantized, loss, indices

# --- scband reference (transcript-rebuilt; emitter-appended) ---
"""Pipeline reference for scband-vqembedding-3874060501677 (READ-ONLY COPY).

The authoritative reference and input builder live on the scoring server;
editing this copy changes nothing except your own understanding.
"""

import jax, jax.numpy as jnp
import numpy as np

N_EMB = 1024
DIM = 64
COMMITMENT_COST = 0.25


def setup_inputs(seed: int = 0) -> dict:
    key = jax.random.key(seed)
    k1, k2 = jax.random.split(key)
    x = jax.random.normal(k1, (64, 576, 64), dtype=jnp.float32)
    r = 1.0 / N_EMB
    embedding = jax.random.uniform(k2, (N_EMB, DIM), minval=-r, maxval=r, dtype=jnp.float32)
    return {"x": x, "embedding": embedding}


def reference(x, embedding):
    M, D = embedding.shape
    # quantize: x is detached for the codebook search (matches x.detach() in torch)
    x_flat = jax.lax.stop_gradient(x).reshape(-1, D)
    # distances = ||e||^2 + ||x||^2 - 2 x e^T  (torch.addmm with alpha=-2, beta=1)
    distances = (
        jnp.sum(embedding ** 2, axis=1)[None, :]
        + jnp.sum(x_flat ** 2, axis=1, keepdims=True)
        - 2.0 * (x_flat @ embedding.T)
    )
    indices = jnp.argmin(distances.astype(jnp.float32), axis=-1)
    quantized = jnp.take(embedding, indices, axis=0).reshape(x.shape)
    # commitment loss: mse(x, quantized.detach())
    e_latent_loss = jnp.mean((x - jax.lax.stop_gradient(quantized)) ** 2)
    loss = COMMITMENT_COST * e_latent_loss
    return (quantized, loss, indices)

if __name__ == "__main__":
    import jax
    _d = setup_inputs()
    print(jax.jit(kernel)(*tuple(_d.values())))

</pallas_src>

<mosaic_0001>
#map = affine_map<(d0, d1) -> (0, 0)>
#map1 = affine_map<(d0, d1) -> (0, 0, 0)>
module attributes {stable_mosaic.version = 14 : i64} {
  func.func @gather_k(%arg0: i32, %arg1: i32, %arg2: memref<1024x64xf32, #tpu.memory_space<hbm>>, %arg3: memref<32x9x128xi32, #tpu.memory_space<hbm>>, %arg4: memref<64x576x64xf32, #tpu.memory_space<hbm>>, %arg5: memref<9x128xi32, #tpu.memory_space<vmem>>, %arg6: memref<1152x64xf32, #tpu.memory_space<vmem>>, %arg7: memref<!tpu.dma_semaphore, #tpu.memory_space<semaphore_mem>>) attributes {dimension_semantics = [#tpu.dimension_semantics<core_parallel>, #tpu.dimension_semantics<subcore_parallel>], iteration_bounds = array<i64: 2, 16>, scalar_prefetch = 0 : i64, scratch_operands = 3 : i64, tpu.core_type = #tpu.core_type<sc_vector_subcore>, window_params = [{transform_indices = #map}, {transform_indices = #map1}, {transform_indices = #map1}]} {
    %mul3A = arith.constant 2 : i32
    %mul3A_0 = arith.muli %arg1, %mul3A : i32
    %add3A = arith.addi %mul3A_0, %arg0 : i32
    "tpu.region"() ({
      %run_scoped3A = tpu.sem_alloc : memref<!tpu.dma_semaphore, #tpu.memory_space<semaphore_mem>>
      %dma_start3A_187 = arith.constant 0 : i32
      %dma_start3A_188 = arith.constant 0 : i32
      %dma_start3A_189 = tpu.memref_slice %arg3[%add3A, %dma_start3A_187, %dma_start3A_188] : memref<32x9x128xi32, #tpu.memory_space<hbm>> -> memref<1x9x128xi32, #tpu.memory_space<hbm>>
      %dma_start3A_190 = tpu.memref_squeeze %dma_start3A_189 : memref<1x9x128xi32, #tpu.memory_space<hbm>> -> memref<9x128xi32, #tpu.memory_space<hbm>>
      %dma_start3A_191 = arith.constant 0 : i32
      %dma_start3A_192 = arith.constant 0 : i32
      %dma_start3A_193 = tpu.memref_slice %arg3[%add3A, %dma_start3A_191, %dma_start3A_192] : memref<32x9x128xi32, #tpu.memory_space<hbm>> -> memref<1x9x128xi32, #tpu.memory_space<hbm>>
      %dma_start3A_194 = tpu.memref_squeeze %dma_start3A_193 : memref<1x9x128xi32, #tpu.memory_space<hbm>> -> memref<9x128xi32, #tpu.memory_space<hbm>>
      tpu.enqueue_dma source(%dma_start3A_194 : memref<9x128xi32, #tpu.memory_space<hbm>>) target(%arg5 : memref<9x128xi32, #tpu.memory_space<vmem>>) target_semaphore(%run_scoped3A : memref<!tpu.dma_semaphore, #tpu.memory_space<semaphore_mem>>)
      %dma_wait3A_195 = arith.constant 0 : i32
      %dma_wait3A_196 = arith.constant 0 : i32
      %dma_wait3A_197 = tpu.memref_slice %arg3[%add3A, %dma_wait3A_195, %dma_wait3A_196] : memref<32x9x128xi32, #tpu.memory_space<hbm>> -> memref<1x9x128xi32, #tpu.memory_space<hbm>>
      %dma_wait3A_198 = tpu.memref_squeeze %dma_wait3A_197 : memref<1x9x128xi32, #tpu.memory_space<hbm>> -> memref<9x128xi32, #tpu.memory_space<hbm>>
      %dma_wait3A_199 = arith.constant 0 : i32
      %dma_wait3A_200 = arith.constant 0 : i32
      %dma_wait3A_201 = tpu.memref_slice %arg3[%add3A, %dma_wait3A_199, %dma_wait3A_200] : memref<32x9x128xi32, #tpu.memory_space<hbm>> -> memref<1x9x128xi32, #tpu.memory_space<hbm>>
      %dma_wait3A_202 = tpu.memref_squeeze %dma_wait3A_201 : memref<1x9x128xi32, #tpu.memory_space<hbm>> -> memref<9x128xi32, #tpu.memory_space<hbm>>
      tpu.wait_dma2 semaphore(%run_scoped3A : memref<!tpu.dma_semaphore, #tpu.memory_space<semaphore_mem>>) src(%dma_wait3A_202 : memref<9x128xi32, #tpu.memory_space<hbm>>) dst(%arg5 : memref<9x128xi32, #tpu.memory_space<vmem>>)
      tpu.yield
    }) : () -> ()
    %dma_start3A = arith.constant 0 : i32
    %dma_start3A_1 = arith.constant 0 : i32
    %dma_start3A_2 = arith.constant 0 : i32
    %dma_start3A_3 = tpu.memref_slice %arg6[%dma_start3A_1, %dma_start3A_2] : memref<1152x64xf32, #tpu.memory_space<vmem>> -> memref<128x64xf32, #tpu.memory_space<vmem>>
    %dma_start3A_4 = arith.constant 0 : i32
    %dma_start3A_5 = tpu.memref_slice %arg5[%dma_start3A, %dma_start3A_4] : memref<9x128xi32, #tpu.memory_space<vmem>> -> memref<1x128xi32, #tpu.memory_space<vmem>>
    %dma_start3A_6 = tpu.memref_squeeze %dma_start3A_5 : memref<1x128xi32, #tpu.memory_space<vmem>> -> memref<128xi32, #tpu.memory_space<vmem>>
    %dma_start3A_7 = arith.constant 0 : i32
    %dma_start3A_8 = arith.constant 0 : i32
    %dma_start3A_9 = tpu.memref_slice %arg2[%dma_start3A_7, %dma_start3A_8] : memref<1024x64xf32, #tpu.memory_space<hbm>> -> memref<1024x64xf32, #tpu.memory_space<hbm>>
    tpu.enqueue_indirect_dma source(%dma_start3A_9 : memref<1024x64xf32, #tpu.memory_space<hbm>>) target(%dma_start3A_3 : memref<128x64xf32, #tpu.memory_space<vmem>>) offsets(%dma_start3A_6 : memref<128xi32, #tpu.memory_space<vmem>>) semaphore(%arg7 : memref<!tpu.dma_semaphore, #tpu.memory_space<semaphore_mem>>)
    %dma_start3A_10 = arith.constant 1 : i32
    %dma_start3A_11 = arith.constant 128 : i32
    %dma_start3A_12 = arith.constant 0 : i32
    %dma_start3A_13 = tpu.memref_slice %arg6[%dma_start3A_11, %dma_start3A_12] : memref<1152x64xf32, #tpu.memory_space<vmem>> -> memref<128x64xf32, #tpu.memory_space<vmem>>
    %dma_start3A_14 = arith.constant 0 : i32
    %dma_start3A_15 = tpu.memref_slice %arg5[%dma_start3A_10, %dma_start3A_14] : memref<9x128xi32, #tpu.memory_space<vmem>> -> memref<1x128xi32, #tpu.memory_space<vmem>>
    %dma_start3A_16 = tpu.memref_squeeze %dma_start3A_15 : memref<1x128xi32, #tpu.memory_space<vmem>> -> memref<128xi32, #tpu.memory_space<vmem>>
    %dma_start3A_17 = arith.constant 0 : i32
    %dma_start3A_18 = arith.constant 0 : i32
    %dma_start3A_19 = tpu.memref_slice %arg2[%dma_start3A_17, %dma_start3A_18] : memref<1024x64xf32, #tpu.memory_space<hbm>> -> memref<1024x64xf32, #tpu.memory_space<hbm>>
    tpu.enqueue_indirect_dma source(%dma_start3A_19 : memref<1024x64xf32, #tpu.memory_space<hbm>>) target(%dma_start3A_13 : memref<128x64xf32, #tpu.memory_space<vmem>>) offsets(%dma_start3A_16 : memref<128xi32, #tpu.memory_space<vmem>>) semaphore(%arg7 : memref<!tpu.dma_semaphore, #tpu.memory_space<semaphore_mem>>)
    %dma_start3A_20 = arith.constant 2 : i32
    %dma_start3A_21 = arith.constant 256 : i32
    %dma_start3A_22 = arith.constant 0 : i32
    %dma_start3A_23 = tpu.memref_slice %arg6[%dma_start3A_21, %dma_start3A_22] : memref<1152x64xf32, #tpu.memory_space<vmem>> -> memref<128x64xf32, #tpu.memory_space<vmem>>
    %dma_start3A_24 = arith.constant 0 : i32
    %dma_start3A_25 = tpu.memref_slice %arg5[%dma_start3A_20, %dma_start3A_24] : memref<9x128xi32, #tpu.memory_space<vmem>> -> memref<1x128xi32, #tpu.memory_space<vmem>>
    %dma_start3A_26 = tpu.memref_squeeze %dma_start3A_25 : memref<1x128xi32, #tpu.memory_space<vmem>> -> memref<128xi32, #tpu.memory_space<vmem>>
    %dma_start3A_27 = arith.constant 0 : i32
    %dma_start3A_28 = arith.constant 0 : i32
    %dma_start3A_29 = tpu.memref_slice %arg2[%dma_start3A_27, %dma_start3A_28] : memref<1024x64xf32, #tpu.memory_space<hbm>> -> memref<1024x64xf32, #tpu.memory_space<hbm>>
    tpu.enqueue_indirect_dma source(%dma_start3A_29 : memref<1024x64xf32, #tpu.memory_space<hbm>>) target(%dma_start3A_23 : memref<128x64xf32, #tpu.memory_space<vmem>>) offsets(%dma_start3A_26 : memref<128xi32, #tpu.memory_space<vmem>>) semaphore(%arg7 : memref<!tpu.dma_semaphore, #tpu.memory_space<semaphore_mem>>)
    %dma_start3A_30 = arith.constant 3 : i32
    %dma_start3A_31 = arith.constant 384 : i32
    %dma_start3A_32 = arith.constant 0 : i32
    %dma_start3A_33 = tpu.memref_slice %arg6[%dma_start3A_31, %dma_start3A_32] : memref<1152x64xf32, #tpu.memory_space<vmem>> -> memref<128x64xf32, #tpu.memory_space<vmem>>
    %dma_start3A_34 = arith.constant 0 : i32
    %dma_start3A_35 = tpu.memref_slice %arg5[%dma_start3A_30, %dma_start3A_34] : memref<9x128xi32, #tpu.memory_space<vmem>> -> memref<1x128xi32, #tpu.memory_space<vmem>>
    %dma_start3A_36 = tpu.memref_squeeze %dma_start3A_35 : memref<1x128xi32, #tpu.memory_space<vmem>> -> memref<128xi32, #tpu.memory_space<vmem>>
    %dma_start3A_37 = arith.constant 0 : i32
    %dma_start3A_38 = arith.constant 0 : i32
    %dma_start3A_39 = tpu.memref_slice %arg2[%dma_start3A_37, %dma_start3A_38] : memref<1024x64xf32, #tpu.memory_space<hbm>> -> memref<1024x64xf32, #tpu.memory_space<hbm>>
    tpu.enqueue_indirect_dma source(%dma_start3A_39 : memref<1024x64xf32, #tpu.memory_space<hbm>>) target(%dma_start3A_33 : memref<128x64xf32, #tpu.memory_space<vmem>>) offsets(%dma_start3A_36 : memref<128xi32, #tpu.memory_space<vmem>>) semaphore(%arg7 : memref<!tpu.dma_semaphore, #tpu.memory_space<semaphore_mem>>)
    %dma_start3A_40 = arith.constant 4 : i32
    %dma_start3A_41 = arith.constant 512 : i32
    %dma_start3A_42 = arith.constant 0 : i32
    %dma_start3A_43 = tpu.memref_slice %arg6[%dma_start3A_41, %dma_start3A_42] : memref<1152x64xf32, #tpu.memory_space<vmem>> -> memref<128x64xf32, #tpu.memory_space<vmem>>
    %dma_start3A_44 = arith.constant 0 : i32
    %dma_start3A_45 = tpu.memref_slice %arg5[%dma_start3A_40, %dma_start3A_44] : memref<9x128xi32, #tpu.memory_space<vmem>> -> memref<1x128xi32, #tpu.memory_space<vmem>>
    %dma_start3A_46 = tpu.memref_squeeze %dma_start3A_45 : memref<1x128xi32, #tpu.memory_space<vmem>> -> memref<128xi32, #tpu.memory_space<vmem>>
    %dma_start3A_47 = arith.constant 0 : i32
    %dma_start3A_48 = arith.constant 0 : i32
    %dma_start3A_49 = tpu.memref_slice %arg2[%dma_start3A_47, %dma_start3A_48] : memref<1024x64xf32, #tpu.memory_space<hbm>> -> memref<1024x64xf32, #tpu.memory_space<hbm>>
    tpu.enqueue_indirect_dma source(%dma_start3A_49 : memref<1024x64xf32, #tpu.memory_space<hbm>>) target(%dma_start3A_43 : memref<128x64xf32, #tpu.memory_space<vmem>>) offsets(%dma_start3A_46 : memref<128xi32, #tpu.memory_space<vmem>>) semaphore(%arg7 : memref<!tpu.dma_semaphore, #tpu.memory_space<semaphore_mem>>)
    %dma_start3A_50 = arith.constant 5 : i32
    %dma_start3A_51 = arith.constant 640 : i32
    %dma_start3A_52 = arith.constant 0 : i32
    %dma_start3A_53 = tpu.memref_slice %arg6[%dma_start3A_51, %dma_start3A_52] : memref<1152x64xf32, #tpu.memory_space<vmem>> -> memref<128x64xf32, #tpu.memory_space<vmem>>
    %dma_start3A_54 = arith.constant 0 : i32
    %dma_start3A_55 = tpu.memref_slice %arg5[%dma_start3A_50, %dma_start3A_54] : memref<9x128xi32, #tpu.memory_space<vmem>> -> memref<1x128xi32, #tpu.memory_space<vmem>>
    %dma_start3A_56 = tpu.memref_squeeze %dma_start3A_55 : memref<1x128xi32, #tpu.memory_space<vmem>> -> memref<128xi32, #tpu.memory_space<vmem>>
    %dma_start3A_57 = arith.constant 0 : i32
    %dma_start3A_58 = arith.constant 0 : i32
    %dma_start3A_59 = tpu.memref_slice %arg2[%dma_start3A_57, %dma_start3A_58] : memref<1024x64xf32, #tpu.memory_space<hbm>> -> memref<1024x64xf32, #tpu.memory_space<hbm>>
    tpu.enqueue_indirect_dma source(%dma_start3A_59 : memref<1024x64xf32, #tpu.memory_space<hbm>>) target(%dma_start3A_53 : memref<128x64xf32, #tpu.memory_space<vmem>>) offsets(%dma_start3A_56 : memref<128xi32, #tpu.memory_space<vmem>>) semaphore(%arg7 : memref<!tpu.dma_semaphore, #tpu.memory_space<semaphore_mem>>)
    %dma_start3A_60 = arith.constant 6 : i32
    %dma_start3A_61 = arith.constant 768 : i32
    %dma_start3A_62 = arith.constant 0 : i32
    %dma_start3A_63 = tpu.memref_slice %arg6[%dma_start3A_61, %dma_start3A_62] : memref<1152x64xf32, #tpu.memory_space<vmem>> -> memref<128x64xf32, #tpu.memory_space<vmem>>
    %dma_start3A_64 = arith.constant 0 : i32
    %dma_start3A_65 = tpu.memref_slice %arg5[%dma_start3A_60, %dma_start3A_64] : memref<9x128xi32, #tpu.memory_space<vmem>> -> memref<1x128xi32, #tpu.memory_space<vmem>>
    %dma_start3A_66 = tpu.memref_squeeze %dma_start3A_65 : memref<1x128xi32, #tpu.memory_space<vmem>> -> memref<128xi32, #tpu.memory_space<vmem>>
    %dma_start3A_67 = arith.constant 0 : i32
    %dma_start3A_68 = arith.constant 0 : i32
    %dma_start3A_69 = tpu.memref_slice %arg2[%dma_start3A_67, %dma_start3A_68] : memref<1024x64xf32, #tpu.memory_space<hbm>> -> memref<1024x64xf32, #tpu.memory_space<hbm>>
    tpu.enqueue_indirect_dma source(%dma_start3A_69 : memref<1024x64xf32, #tpu.memory_space<hbm>>) target(%dma_start3A_63 : memref<128x64xf32, #tpu.memory_space<vmem>>) offsets(%dma_start3A_66 : memref<128xi32, #tpu.memory_space<vmem>>) semaphore(%arg7 : memref<!tpu.dma_semaphore, #tpu.memory_space<semaphore_mem>>)
    %dma_start3A_70 = arith.constant 7 : i32
    %dma_start3A_71 = arith.constant 896 : i32
    %dma_start3A_72 = arith.constant 0 : i32
    %dma_start3A_73 = tpu.memref_slice %arg6[%dma_start3A_71, %dma_start3A_72] : memref<1152x64xf32, #tpu.memory_space<vmem>> -> memref<128x64xf32, #tpu.memory_space<vmem>>
    %dma_start3A_74 = arith.constant 0 : i32
    %dma_start3A_75 = tpu.memref_slice %arg5[%dma_start3A_70, %dma_start3A_74] : memref<9x128xi32, #tpu.memory_space<vmem>> -> memref<1x128xi32, #tpu.memory_space<vmem>>
    %dma_start3A_76 = tpu.memref_squeeze %dma_start3A_75 : memref<1x128xi32, #tpu.memory_space<vmem>> -> memref<128xi32, #tpu.memory_space<vmem>>
    %dma_start3A_77 = arith.constant 0 : i32
    %dma_start3A_78 = arith.constant 0 : i32
    %dma_start3A_79 = tpu.memref_slice %arg2[%dma_start3A_77, %dma_start3A_78] : memref<1024x64xf32, #tpu.memory_space<hbm>> -> memref<1024x64xf32, #tpu.memory_space<hbm>>
    tpu.enqueue_indirect_dma source(%dma_start3A_79 : memref<1024x64xf32, #tpu.memory_space<hbm>>) target(%dma_start3A_73 : memref<128x64xf32, #tpu.memory_space<vmem>>) offsets(%dma_start3A_76 : memref<128xi32, #tpu.memory_space<vmem>>) semaphore(%arg7 : memref<!tpu.dma_semaphore, #tpu.memory_space<semaphore_mem>>)
    %dma_start3A_80 = arith.constant 8 : i32
    %dma_start3A_81 = arith.constant 1024 : i32
    %dma_start3A_82 = arith.constant 0 : i32
    %dma_start3A_83 = tpu.memref_slice %arg6[%dma_start3A_81, %dma_start3A_82] : memref<1152x64xf32, #tpu.memory_space<vmem>> -> memref<128x64xf32, #tpu.memory_space<vmem>>
    %dma_start3A_84 = arith.constant 0 : i32
    %dma_start3A_85 = tpu.memref_slice %arg5[%dma_start3A_80, %dma_start3A_84] : memref<9x128xi32, #tpu.memory_space<vmem>> -> memref<1x128xi32, #tpu.memory_space<vmem>>
    %dma_start3A_86 = tpu.memref_squeeze %dma_start3A_85 : memref<1x128xi32, #tpu.memory_space<vmem>> -> memref<128xi32, #tpu.memory_space<vmem>>
    %dma_start3A_87 = arith.constant 0 : i32
    %dma_start3A_88 = arith.constant 0 : i32
    %dma_start3A_89 = tpu.memref_slice %arg2[%dma_start3A_87, %dma_start3A_88] : memref<1024x64xf32, #tpu.memory_space<hbm>> -> memref<1024x64xf32, #tpu.memory_space<hbm>>
    tpu.enqueue_indirect_dma source(%dma_start3A_89 : memref<1024x64xf32, #tpu.memory_space<hbm>>) target(%dma_start3A_83 : memref<128x64xf32, #tpu.memory_space<vmem>>) offsets(%dma_start3A_86 : memref<128xi32, #tpu.memory_space<vmem>>) semaphore(%arg7 : memref<!tpu.dma_semaphore, #tpu.memory_space<semaphore_mem>>)
    %dma_wait3A = arith.constant 0 : i32
    %dma_wait3A_90 = arith.constant 0 : i32
    %dma_wait3A_91 = arith.constant 0 : i32
    %dma_wait3A_92 = tpu.memref_slice %arg6[%dma_wait3A_90, %dma_wait3A_91] : memref<1152x64xf32, #tpu.memory_space<vmem>> -> memref<128x64xf32, #tpu.memory_space<vmem>>
    %dma_wait3A_93 = arith.constant 0 : i32
    %dma_wait3A_94 = tpu.memref_slice %arg5[%dma_wait3A, %dma_wait3A_93] : memref<9x128xi32, #tpu.memory_space<vmem>> -> memref<1x128xi32, #tpu.memory_space<vmem>>
    %dma_wait3A_95 = tpu.memref_squeeze %dma_wait3A_94 : memref<1x128xi32, #tpu.memory_space<vmem>> -> memref<128xi32, #tpu.memory_space<vmem>>
    %dma_wait3A_96 = arith.constant 0 : i32
    %dma_wait3A_97 = arith.constant 0 : i32
    %dma_wait3A_98 = tpu.memref_slice %arg2[%dma_wait3A_96, %dma_wait3A_97] : memref<1024x64xf32, #tpu.memory_space<hbm>> -> memref<1024x64xf32, #tpu.memory_space<hbm>>
    tpu.wait_indirect_dma semaphore(%arg7 : memref<!tpu.dma_semaphore, #tpu.memory_space<semaphore_mem>>) src(%dma_wait3A_98 : memref<1024x64xf32, #tpu.memory_space<hbm>>) dst(%dma_wait3A_92 : memref<128x64xf32, #tpu.memory_space<vmem>>)
    %dma_wait3A_99 = arith.constant 1 : i32
    %dma_wait3A_100 = arith.constant 128 : i32
    %dma_wait3A_101 = arith.constant 0 : i32
    %dma_wait3A_102 = tpu.memref_slice %arg6[%dma_wait3A_100, %dma_wait3A_101] : memref<1152x64xf32, #tpu.memory_space<vmem>> -> memref<128x64xf32, #tpu.memory_space<vmem>>
    %dma_wait3A_103 = arith.constant 0 : i32
    %dma_wait3A_104 = tpu.memref_slice %arg5[%dma_wait3A_99, %dma_wait3A_103] : memref<9x128xi32, #tpu.memory_space<vmem>> -> memref<1x128xi32, #tpu.memory_space<vmem>>
    %dma_wait3A_105 = tpu.memref_squeeze %dma_wait3A_104 : memref<1x128xi32, #tpu.memory_space<vmem>> -> memref<128xi32, #tpu.memory_space<vmem>>
    %dma_wait3A_106 = arith.constant 0 : i32
    %dma_wait3A_107 = arith.constant 0 : i32
    %dma_wait3A_108 = tpu.memref_slice %arg2[%dma_wait3A_106, %dma_wait3A_107] : memref<1024x64xf32, #tpu.memory_space<hbm>> -> memref<1024x64xf32, #tpu.memory_space<hbm>>
    tpu.wait_indirect_dma semaphore(%arg7 : memref<!tpu.dma_semaphore, #tpu.memory_space<semaphore_mem>>) src(%dma_wait3A_108 : memref<1024x64xf32, #tpu.memory_space<hbm>>) dst(%dma_wait3A_102 : memref<128x64xf32, #tpu.memory_space<vmem>>)
    %dma_wait3A_109 = arith.constant 2 : i32
    %dma_wait3A_110 = arith.constant 256 : i32
    %dma_wait3A_111 = arith.constant 0 : i32
    %dma_wait3A_112 = tpu.memref_slice %arg6[%dma_wait3A_110, %dma_wait3A_111] : memref<1152x64xf32, #tpu.memory_space<vmem>> -> memref<128x64xf32, #tpu.memory_space<vmem>>
    %dma_wait3A_113 = arith.constant 0 : i32
    %dma_wait3A_114 = tpu.memref_slice %arg5[%dma_wait3A_109, %dma_wait3A_113] : memref<9x128xi32, #tpu.memory_space<vmem>> -> memref<1x128xi32, #tpu.memory_space<vmem>>
    %dma_wait3A_115 = tpu.memref_squeeze %dma_wait3A_114 : memref<1x128xi32, #tpu.memory_space<vmem>> -> memref<128xi32, #tpu.memory_space<vmem>>
    %dma_wait3A_116 = arith.constant 0 : i32
    %dma_wait3A_117 = arith.constant 0 : i32
    %dma_wait3A_118 = tpu.memref_slice %arg2[%dma_wait3A_116, %dma_wait3A_117] : memref<1024x64xf32, #tpu.memory_space<hbm>> -> memref<1024x64xf32, #tpu.memory_space<hbm>>
    tpu.wait_indirect_dma semaphore(%arg7 : memref<!tpu.dma_semaphore, #tpu.memory_space<semaphore_mem>>) src(%dma_wait3A_118 : memref<1024x64xf32, #tpu.memory_space<hbm>>) dst(%dma_wait3A_112 : memref<128x64xf32, #tpu.memory_space<vmem>>)
    %dma_wait3A_119 = arith.constant 3 : i32
    %dma_wait3A_120 = arith.constant 384 : i32
    %dma_wait3A_121 = arith.constant 0 : i32
    %dma_wait3A_122 = tpu.memref_slice %arg6[%dma_wait3A_120, %dma_wait3A_121] : memref<1152x64xf32, #tpu.memory_space<vmem>> -> memref<128x64xf32, #tpu.memory_space<vmem>>
    %dma_wait3A_123 = arith.constant 0 : i32
    %dma_wait3A_124 = tpu.memref_slice %arg5[%dma_wait3A_119, %dma_wait3A_123] : memref<9x128xi32, #tpu.memory_space<vmem>> -> memref<1x128xi32, #tpu.memory_space<vmem>>
    %dma_wait3A_125 = tpu.memref_squeeze %dma_wait3A_124 : memref<1x128xi32, #tpu.memory_space<vmem>> -> memref<128xi32, #tpu.memory_space<vmem>>
    %dma_wait3A_126 = arith.constant 0 : i32
    %dma_wait3A_127 = arith.constant 0 : i32
    %dma_wait3A_128 = tpu.memref_slice %arg2[%dma_wait3A_126, %dma_wait3A_127] : memref<1024x64xf32, #tpu.memory_space<hbm>> -> memref<1024x64xf32, #tpu.memory_space<hbm>>
    tpu.wait_indirect_dma semaphore(%arg7 : memref<!tpu.dma_semaphore, #tpu.memory_space<semaphore_mem>>) src(%dma_wait3A_128 : memref<1024x64xf32, #tpu.memory_space<hbm>>) dst(%dma_wait3A_122 : memref<128x64xf32, #tpu.memory_space<vmem>>)
    %dma_wait3A_129 = arith.constant 4 : i32
    %dma_wait3A_130 = arith.constant 512 : i32
    %dma_wait3A_131 = arith.constant 0 : i32
    %dma_wait3A_132 = tpu.memref_slice %arg6[%dma_wait3A_130, %dma_wait3A_131] : memref<1152x64xf32, #tpu.memory_space<vmem>> -> memref<128x64xf32, #tpu.memory_space<vmem>>
    %dma_wait3A_133 = arith.constant 0 : i32
    %dma_wait3A_134 = tpu.memref_slice %arg5[%dma_wait3A_129, %dma_wait3A_133] : memref<9x128xi32, #tpu.memory_space<vmem>> -> memref<1x128xi32, #tpu.memory_space<vmem>>
    %dma_wait3A_135 = tpu.memref_squeeze %dma_wait3A_134 : memref<1x128xi32, #tpu.memory_space<vmem>> -> memref<128xi32, #tpu.memory_space<vmem>>
    %dma_wait3A_136 = arith.constant 0 : i32
    %dma_wait3A_137 = arith.constant 0 : i32
    %dma_wait3A_138 = tpu.memref_slice %arg2[%dma_wait3A_136, %dma_wait3A_137] : memref<1024x64xf32, #tpu.memory_space<hbm>> -> memref<1024x64xf32, #tpu.memory_space<hbm>>
    tpu.wait_indirect_dma semaphore(%arg7 : memref<!tpu.dma_semaphore, #tpu.memory_space<semaphore_mem>>) src(%dma_wait3A_138 : memref<1024x64xf32, #tpu.memory_space<hbm>>) dst(%dma_wait3A_132 : memref<128x64xf32, #tpu.memory_space<vmem>>)
    %dma_wait3A_139 = arith.constant 5 : i32
    %dma_wait3A_140 = arith.constant 640 : i32
    %dma_wait3A_141 = arith.constant 0 : i32
    %dma_wait3A_142 = tpu.memref_slice %arg6[%dma_wait3A_140, %dma_wait3A_141] : memref<1152x64xf32, #tpu.memory_space<vmem>> -> memref<128x64xf32, #tpu.memory_space<vmem>>
    %dma_wait3A_143 = arith.constant 0 : i32
    %dma_wait3A_144 = tpu.memref_slice %arg5[%dma_wait3A_139, %dma_wait3A_143] : memref<9x128xi32, #tpu.memory_space<vmem>> -> memref<1x128xi32, #tpu.memory_space<vmem>>
    %dma_wait3A_145 = tpu.memref_squeeze %dma_wait3A_144 : memref<1x128xi32, #tpu.memory_space<vmem>> -> memref<128xi32, #tpu.memory_space<vmem>>
    %dma_wait3A_146 = arith.constant 0 : i32
    %dma_wait3A_147 = arith.constant 0 : i32
    %dma_wait3A_148 = tpu.memref_slice %arg2[%dma_wait3A_146, %dma_wait3A_147] : memref<1024x64xf32, #tpu.memory_space<hbm>> -> memref<1024x64xf32, #tpu.memory_space<hbm>>
    tpu.wait_indirect_dma semaphore(%arg7 : memref<!tpu.dma_semaphore, #tpu.memory_space<semaphore_mem>>) src(%dma_wait3A_148 : memref<1024x64xf32, #tpu.memory_space<hbm>>) dst(%dma_wait3A_142 : memref<128x64xf32, #tpu.memory_space<vmem>>)
    %dma_wait3A_149 = arith.constant 6 : i32
    %dma_wait3A_150 = arith.constant 768 : i32
    %dma_wait3A_151 = arith.constant 0 : i32
    %dma_wait3A_152 = tpu.memref_slice %arg6[%dma_wait3A_150, %dma_wait3A_151] : memref<1152x64xf32, #tpu.memory_space<vmem>> -> memref<128x64xf32, #tpu.memory_space<vmem>>
    %dma_wait3A_153 = arith.constant 0 : i32
    %dma_wait3A_154 = tpu.memref_slice %arg5[%dma_wait3A_149, %dma_wait3A_153] : memref<9x128xi32, #tpu.memory_space<vmem>> -> memref<1x128xi32, #tpu.memory_space<vmem>>
    %dma_wait3A_155 = tpu.memref_squeeze %dma_wait3A_154 : memref<1x128xi32, #tpu.memory_space<vmem>> -> memref<128xi32, #tpu.memory_space<vmem>>
    %dma_wait3A_156 = arith.constant 0 : i32
    %dma_wait3A_157 = arith.constant 0 : i32
    %dma_wait3A_158 = tpu.memref_slice %arg2[%dma_wait3A_156, %dma_wait3A_157] : memref<1024x64xf32, #tpu.memory_space<hbm>> -> memref<1024x64xf32, #tpu.memory_space<hbm>>
    tpu.wait_indirect_dma semaphore(%arg7 : memref<!tpu.dma_semaphore, #tpu.memory_space<semaphore_mem>>) src(%dma_wait3A_158 : memref<1024x64xf32, #tpu.memory_space<hbm>>) dst(%dma_wait3A_152 : memref<128x64xf32, #tpu.memory_space<vmem>>)
    %dma_wait3A_159 = arith.constant 7 : i32
    %dma_wait3A_160 = arith.constant 896 : i32
    %dma_wait3A_161 = arith.constant 0 : i32
    %dma_wait3A_162 = tpu.memref_slice %arg6[%dma_wait3A_160, %dma_wait3A_161] : memref<1152x64xf32, #tpu.memory_space<vmem>> -> memref<128x64xf32, #tpu.memory_space<vmem>>
    %dma_wait3A_163 = arith.constant 0 : i32
    %dma_wait3A_164 = tpu.memref_slice %arg5[%dma_wait3A_159, %dma_wait3A_163] : memref<9x128xi32, #tpu.memory_space<vmem>> -> memref<1x128xi32, #tpu.memory_space<vmem>>
    %dma_wait3A_165 = tpu.memref_squeeze %dma_wait3A_164 : memref<1x128xi32, #tpu.memory_space<vmem>> -> memref<128xi32, #tpu.memory_space<vmem>>
    %dma_wait3A_166 = arith.constant 0 : i32
    %dma_wait3A_167 = arith.constant 0 : i32
    %dma_wait3A_168 = tpu.memref_slice %arg2[%dma_wait3A_166, %dma_wait3A_167] : memref<1024x64xf32, #tpu.memory_space<hbm>> -> memref<1024x64xf32, #tpu.memory_space<hbm>>
    tpu.wait_indirect_dma semaphore(%arg7 : memref<!tpu.dma_semaphore, #tpu.memory_space<semaphore_mem>>) src(%dma_wait3A_168 : memref<1024x64xf32, #tpu.memory_space<hbm>>) dst(%dma_wait3A_162 : memref<128x64xf32, #tpu.memory_space<vmem>>)
    %dma_wait3A_169 = arith.constant 8 : i32
    %dma_wait3A_170 = arith.constant 1024 : i32
    %dma_wait3A_171 = arith.constant 0 : i32
    %dma_wait3A_172 = tpu.memref_slice %arg6[%dma_wait3A_170, %dma_wait3A_171] : memref<1152x64xf32, #tpu.memory_space<vmem>> -> memref<128x64xf32, #tpu.memory_space<vmem>>
    %dma_wait3A_173 = arith.constant 0 : i32
    %dma_wait3A_174 = tpu.memref_slice %arg5[%dma_wait3A_169, %dma_wait3A_173] : memref<9x128xi32, #tpu.memory_space<vmem>> -> memref<1x128xi32, #tpu.memory_space<vmem>>
    %dma_wait3A_175 = tpu.memref_squeeze %dma_wait3A_174 : memref<1x128xi32, #tpu.memory_space<vmem>> -> memref<128xi32, #tpu.memory_space<vmem>>
    %dma_wait3A_176 = arith.constant 0 : i32
    %dma_wait3A_177 = arith.constant 0 : i32
    %dma_wait3A_178 = tpu.memref_slice %arg2[%dma_wait3A_176, %dma_wait3A_177] : memref<1024x64xf32, #tpu.memory_space<hbm>> -> memref<1024x64xf32, #tpu.memory_space<hbm>>
    tpu.wait_indirect_dma semaphore(%arg7 : memref<!tpu.dma_semaphore, #tpu.memory_space<semaphore_mem>>) src(%dma_wait3A_178 : memref<1024x64xf32, #tpu.memory_space<hbm>>) dst(%dma_wait3A_172 : memref<128x64xf32, #tpu.memory_space<vmem>>)
    %mul3A_179 = arith.constant 2 : i32
    %mul3A_180 = arith.muli %add3A, %mul3A_179 : i32
    %add3A_181 = arith.constant 0 : i32
    %add3A_182 = arith.addi %mul3A_180, %add3A_181 : i32
    "tpu.region"() ({
      %run_scoped3A = tpu.sem_alloc : memref<!tpu.dma_semaphore, #tpu.memory_space<semaphore_mem>>
      %dma_start3A_187 = arith.constant 0 : i32
      %dma_start3A_188 = arith.constant 0 : i32
      %dma_start3A_189 = tpu.memref_slice %arg6[%dma_start3A_187, %dma_start3A_188] : memref<1152x64xf32, #tpu.memory_space<vmem>> -> memref<576x64xf32, #tpu.memory_space<vmem>>
      %dma_start3A_190 = arith.constant 0 : i32
      %dma_start3A_191 = arith.constant 0 : i32
      %dma_start3A_192 = tpu.memref_slice %arg4[%add3A_182, %dma_start3A_190, %dma_start3A_191] : memref<64x576x64xf32, #tpu.memory_space<hbm>> -> memref<1x576x64xf32, #tpu.memory_space<hbm>>
      %dma_start3A_193 = tpu.memref_squeeze %dma_start3A_192 : memref<1x576x64xf32, #tpu.memory_space<hbm>> -> memref<576x64xf32, #tpu.memory_space<hbm>>
      %dma_start3A_194 = arith.constant 0 : i32
      %dma_start3A_195 = arith.constant 0 : i32
      %dma_start3A_196 = tpu.memref_slice %arg4[%add3A_182, %dma_start3A_194, %dma_start3A_195] : memref<64x576x64xf32, #tpu.memory_space<hbm>> -> memref<1x576x64xf32, #tpu.memory_space<hbm>>
      %dma_start3A_197 = tpu.memref_squeeze %dma_start3A_196 : memref<1x576x64xf32, #tpu.memory_space<hbm>> -> memref<576x64xf32, #tpu.memory_space<hbm>>
      %dma_start3A_198 = arith.constant 0 : i32
      %dma_start3A_199 = arith.constant 0 : i32
      %dma_start3A_200 = tpu.memref_slice %arg6[%dma_start3A_198, %dma_start3A_199] : memref<1152x64xf32, #tpu.memory_space<vmem>> -> memref<576x64xf32, #tpu.memory_space<vmem>>
      tpu.enqueue_dma source(%dma_start3A_200 : memref<576x64xf32, #tpu.memory_space<vmem>>) target(%dma_start3A_197 : memref<576x64xf32, #tpu.memory_space<hbm>>) target_semaphore(%run_scoped3A : memref<!tpu.dma_semaphore, #tpu.memory_space<semaphore_mem>>)
      %dma_wait3A_201 = arith.constant 0 : i32
      %dma_wait3A_202 = arith.constant 0 : i32
      %dma_wait3A_203 = tpu.memref_slice %arg6[%dma_wait3A_201, %dma_wait3A_202] : memref<1152x64xf32, #tpu.memory_space<vmem>> -> memref<576x64xf32, #tpu.memory_space<vmem>>
      %dma_wait3A_204 = arith.constant 0 : i32
      %dma_wait3A_205 = arith.constant 0 : i32
      %dma_wait3A_206 = tpu.memref_slice %arg4[%add3A_182, %dma_wait3A_204, %dma_wait3A_205] : memref<64x576x64xf32, #tpu.memory_space<hbm>> -> memref<1x576x64xf32, #tpu.memory_space<hbm>>
      %dma_wait3A_207 = tpu.memref_squeeze %dma_wait3A_206 : memref<1x576x64xf32, #tpu.memory_space<hbm>> -> memref<576x64xf32, #tpu.memory_space<hbm>>
      %dma_wait3A_208 = arith.constant 0 : i32
      %dma_wait3A_209 = arith.constant 0 : i32
      %dma_wait3A_210 = tpu.memref_slice %arg4[%add3A_182, %dma_wait3A_208, %dma_wait3A_209] : memref<64x576x64xf32, #tpu.memory_space<hbm>> -> memref<1x576x64xf32, #tpu.memory_space<hbm>>
      %dma_wait3A_211 = tpu.memref_squeeze %dma_wait3A_210 : memref<1x576x64xf32, #tpu.memory_space<hbm>> -> memref<576x64xf32, #tpu.memory_space<hbm>>
      %dma_wait3A_212 = arith.constant 0 : i32
      %dma_wait3A_213 = arith.constant 0 : i32
      %dma_wait3A_214 = tpu.memref_slice %arg6[%dma_wait3A_212, %dma_wait3A_213] : memref<1152x64xf32, #tpu.memory_space<vmem>> -> memref<576x64xf32, #tpu.memory_space<vmem>>
      tpu.wait_dma2 semaphore(%run_scoped3A : memref<!tpu.dma_semaphore, #tpu.memory_space<semaphore_mem>>) src(%dma_wait3A_214 : memref<576x64xf32, #tpu.memory_space<vmem>>) dst(%dma_wait3A_211 : memref<576x64xf32, #tpu.memory_space<hbm>>)
      tpu.yield
    }) : () -> ()
    %mul3A_183 = arith.constant 2 : i32
    %mul3A_184 = arith.muli %add3A, %mul3A_183 : i32
    %add3A_185 = arith.constant 1 : i32
    %add3A_186 = arith.addi %mul3A_184, %add3A_185 : i32
    "tpu.region"() ({
      %run_scoped3A = tpu.sem_alloc : memref<!tpu.dma_semaphore, #tpu.memory_space<semaphore_mem>>
      %dma_start3A_187 = arith.constant 576 : i32
      %dma_start3A_188 = arith.constant 0 : i32
      %dma_start3A_189 = tpu.memref_slice %arg6[%dma_start3A_187, %dma_start3A_188] : memref<1152x64xf32, #tpu.memory_space<vmem>> -> memref<576x64xf32, #tpu.memory_space<vmem>>
      %dma_start3A_190 = arith.constant 0 : i32
      %dma_start3A_191 = arith.constant 0 : i32
      %dma_start3A_192 = tpu.memref_slice %arg4[%add3A_186, %dma_start3A_190, %dma_start3A_191] : memref<64x576x64xf32, #tpu.memory_space<hbm>> -> memref<1x576x64xf32, #tpu.memory_space<hbm>>
      %dma_start3A_193 = tpu.memref_squeeze %dma_start3A_192 : memref<1x576x64xf32, #tpu.memory_space<hbm>> -> memref<576x64xf32, #tpu.memory_space<hbm>>
      %dma_start3A_194 = arith.constant 0 : i32
      %dma_start3A_195 = arith.constant 0 : i32
      %dma_start3A_196 = tpu.memref_slice %arg4[%add3A_186, %dma_start3A_194, %dma_start3A_195] : memref<64x576x64xf32, #tpu.memory_space<hbm>> -> memref<1x576x64xf32, #tpu.memory_space<hbm>>
      %dma_start3A_197 = tpu.memref_squeeze %dma_start3A_196 : memref<1x576x64xf32, #tpu.memory_space<hbm>> -> memref<576x64xf32, #tpu.memory_space<hbm>>
      %dma_start3A_198 = arith.constant 576 : i32
      %dma_start3A_199 = arith.constant 0 : i32
      %dma_start3A_200 = tpu.memref_slice %arg6[%dma_start3A_198, %dma_start3A_199] : memref<1152x64xf32, #tpu.memory_space<vmem>> -> memref<576x64xf32, #tpu.memory_space<vmem>>
      tpu.enqueue_dma source(%dma_start3A_200 : memref<576x64xf32, #tpu.memory_space<vmem>>) target(%dma_start3A_197 : memref<576x64xf32, #tpu.memory_space<hbm>>) target_semaphore(%run_scoped3A : memref<!tpu.dma_semaphore, #tpu.memory_space<semaphore_mem>>)
      %dma_wait3A_201 = arith.constant 576 : i32
      %dma_wait3A_202 = arith.constant 0 : i32
      %dma_wait3A_203 = tpu.memref_slice %arg6[%dma_wait3A_201, %dma_wait3A_202] : memref<1152x64xf32, #tpu.memory_space<vmem>> -> memref<576x64xf32, #tpu.memory_space<vmem>>
      %dma_wait3A_204 = arith.constant 0 : i32
      %dma_wait3A_205 = arith.constant 0 : i32
      %dma_wait3A_206 = tpu.memref_slice %arg4[%add3A_186, %dma_wait3A_204, %dma_wait3A_205] : memref<64x576x64xf32, #tpu.memory_space<hbm>> -> memref<1x576x64xf32, #tpu.memory_space<hbm>>
      %dma_wait3A_207 = tpu.memref_squeeze %dma_wait3A_206 : memref<1x576x64xf32, #tpu.memory_space<hbm>> -> memref<576x64xf32, #tpu.memory_space<hbm>>
      %dma_wait3A_208 = arith.constant 0 : i32
      %dma_wait3A_209 = arith.constant 0 : i32
      %dma_wait3A_210 = tpu.memref_slice %arg4[%add3A_186, %dma_wait3A_208, %dma_wait3A_209] : memref<64x576x64xf32, #tpu.memory_space<hbm>> -> memref<1x576x64xf32, #tpu.memory_space<hbm>>
      %dma_wait3A_211 = tpu.memref_squeeze %dma_wait3A_210 : memref<1x576x64xf32, #tpu.memory_space<hbm>> -> memref<576x64xf32, #tpu.memory_space<hbm>>
      %dma_wait3A_212 = arith.constant 576 : i32
      %dma_wait3A_213 = arith.constant 0 : i32
      %dma_wait3A_214 = tpu.memref_slice %arg6[%dma_wait3A_212, %dma_wait3A_213] : memref<1152x64xf32, #tpu.memory_space<vmem>> -> memref<576x64xf32, #tpu.memory_space<vmem>>
      tpu.wait_dma2 semaphore(%run_scoped3A : memref<!tpu.dma_semaphore, #tpu.memory_space<semaphore_mem>>) src(%dma_wait3A_214 : memref<576x64xf32, #tpu.memory_space<vmem>>) dst(%dma_wait3A_211 : memref<576x64xf32, #tpu.memory_space<hbm>>)
      tpu.yield
    }) : () -> ()
    return
  }
}

module attributes {stable_mosaic.version = 14 : i64} {
  func.func @_tc_body(%arg0: i32, %arg1: memref<8x64x576xf32, #tpu.memory_space<vmem>>, %arg2: memref<1024x64xf32, #tpu.memory_space<vmem>>, %arg3: memref<8x1x576xi32, #tpu.memory_space<vmem>>, %arg4: memref<1x1xf32, #tpu.memory_space<vmem>>) attributes {dimension_semantics = [#tpu.dimension_semantics<arbitrary>], iteration_bounds = array<i64: 8>, scalar_prefetch = 0 : i64, scratch_operands = 0 : i64, tpu.core_type = #tpu.core_type<tc>, window_params = [{transform_indices = @transform_0, window_bounds = array<i64: 8, 64, 576>}, {pipeline_mode = #tpu.pipeline_mode<synchronous>, transform_indices = @transform_1, window_bounds = array<i64: 1024, 64>}, {transform_indices = @transform_2, window_bounds = array<i64: 8, 1, 576>}, {pipeline_mode = #tpu.pipeline_mode<synchronous>, transform_indices = @transform_3, window_bounds = array<i64: 1, 1>}]} {
    %get3A = arith.constant 0 : index
    %get3A_0 = arith.constant 0 : index
    %get3A_1 = vector.load %arg2[%get3A, %get3A_0] : memref<1024x64xf32, #tpu.memory_space<vmem>>, vector<1024x64xf32>
    %mul3A = arith.mulf %get3A_1, %get3A_1 : vector<1024x64xf32>
    %reduce_sum3A = arith.constant dense<0.000000e+00> : vector<1024xf32>
    %reduce_sum3A_2 = vector.multi_reduction <add>, %mul3A, %reduce_sum3A [1] : vector<1024x64xf32> to vector<1024xf32>
    %broadcast_in_dim3A = vector.shape_cast %reduce_sum3A_2 : vector<1024xf32> to vector<1024x1xf32>
    %eq3A = arith.constant 0 : i32
    %eq3A_3 = arith.cmpi eq, %arg0, %eq3A : i32
    %convert_element_type3A = arith.extui %eq3A_3 : i1 to i32
    %cond3A = arith.constant 0 : i32
    %cond3A_4 = arith.cmpi ne, %convert_element_type3A, %cond3A : i32
    scf.if %cond3A_4 {
      %broadcast_in_dim3A_413 = arith.constant 0.000000e+00 : f32
      %broadcast_in_dim3A_414 = vector.broadcast %broadcast_in_dim3A_413 : f32 to vector<1x1xf32>
      %swap3A_415 = arith.constant 0 : index
      %swap3A_416 = arith.constant 0 : index
      %swap3A_417 = vector.load %arg4[%swap3A_415, %swap3A_416] : memref<1x1xf32, #tpu.memory_space<vmem>>, vector<1x1xf32>
      tpu.vector_store %arg4[%swap3A_415, %swap3A_416], %broadcast_in_dim3A_414 {strides = array<i32>} : memref<1x1xf32, #tpu.memory_space<vmem>>, vector<1x1xf32>,
    } else {
    }
    %get3A_5 = arith.constant 0 : index
    %get3A_6 = arith.constant 0 : index
    %get3A_7 = arith.constant 0 : index
    %get3A_8 = vector.load %arg1[%get3A_5, %get3A_6, %get3A_7] : memref<8x64x576xf32, #tpu.memory_space<vmem>>, vector<1x64x576xf32>
    %get3A_9 = vector.shape_cast %get3A_8 : vector<1x64x576xf32> to vector<64x576xf32>
    %dot_general3A = arith.constant dense<0.000000e+00> : vector<1024x576xf32>
    %dot_general3A_10 = tpu.matmul %get3A_1, %get3A_9, %dot_general3A {dimension_numbers = #tpu.dot_dimension_numbers<[1], [0], [0], [1], [0, 0, 1, 1], [], []>, transpose_lhs_hint = false} : vector<1024x64xf32>, vector<64x576xf32>, vector<1024x576xf32> -> vector<1024x576xf32>
    %mul3A_11 = arith.mulf %get3A_9, %get3A_9 : vector<64x576xf32>
    %reduce_sum3A_12 = arith.constant dense<0.000000e+00> : vector<576xf32>
    %reduce_sum3A_13 = vector.multi_reduction <add>, %mul3A_11, %reduce_sum3A_12 [0] : vector<64x576xf32> to vector<576xf32>
    %broadcast_in_dim3A_14 = vector.shape_cast %reduce_sum3A_13 : vector<576xf32> to vector<1x576xf32>
    %add3A = vector.broadcast %broadcast_in_dim3A : vector<1024x1xf32> to vector<1024x576xf32>
    %add3A_15 = vector.broadcast %broadcast_in_dim3A_14 : vector<1x576xf32> to vector<1024x576xf32>
    %add3A_16 = arith.addf %add3A, %add3A_15 : vector<1024x576xf32>
    %mul3A_17 = arith.constant 2.000000e+00 : f32
    %mul3A_18 = vector.broadcast %mul3A_17 : f32 to vector<1024x576xf32>
    %mul3A_19 = arith.mulf %mul3A_18, %dot_general3A_10 : vector<1024x576xf32>
    %sub3A = arith.subf %add3A_16, %mul3A_19 : vector<1024x576xf32>
    %reduce_min3A = arith.constant dense<0x7F800000> : vector<576xf32>
    %reduce_min3A_20 = vector.multi_reduction <minimumf>, %sub3A, %reduce_min3A [0] : vector<1024x576xf32> to vector<576xf32>
    %broadcast_in_dim3A_21 = vector.shape_cast %reduce_min3A_20 : vector<576xf32> to vector<1x576xf32>
    %iota3A = tpu.iota {dimensions = array<i32: 0>} : vector<1024x1xi32>
    %convert_element_type3A_22 = arith.sitofp %iota3A : vector<1024x1xi32> to vector<1024x1xf32>
    %broadcast_in_dim3A_23 = vector.shape_cast %convert_element_type3A_22 : vector<1024x1xf32> to vector<1024x1xf32>
    %broadcast_in_dim3A_24 = vector.broadcast %broadcast_in_dim3A_23 : vector<1024x1xf32> to vector<1024x576xf32>
    %eq3A_25 = vector.broadcast %broadcast_in_dim3A_21 : vector<1x576xf32> to vector<1024x576xf32>
    %eq3A_26 = arith.cmpf oeq, %sub3A, %eq3A_25 : vector<1024x576xf32>
    %jit3A = arith.constant 1.024000e+03 : f32
    %broadcast_in_dim3A_27 = vector.broadcast %jit3A : f32 to vector<1024x576xf32>
    %select_n3A = arith.select %eq3A_26, %broadcast_in_dim3A_24, %broadcast_in_dim3A_27 : vector<1024x576xi1>, vector<1024x576xf32>
    %reduce_min3A_28 = arith.constant dense<0x7F800000> : vector<576xf32>
    %reduce_min3A_29 = vector.multi_reduction <minimumf>, %select_n3A, %reduce_min3A_28 [0] : vector<1024x576xf32> to vector<576xf32>
    %convert_element_type3A_30 = arith.fptosi %reduce_min3A_29 : vector<576xf32> to vector<576xi32>
    %swap3A = arith.constant 0 : index
    %swap3A_31 = arith.constant 0 : index
    %swap3A_32 = arith.constant 0 : index
    %swap3A_33 = vector.load %arg3[%swap3A, %swap3A_31, %swap3A_32] : memref<8x1x576xi32, #tpu.memory_space<vmem>>, vector<1x1x576xi32>
    %swap3A_34 = vector.shape_cast %swap3A_33 : vector<1x1x576xi32> to vector<576xi32>
    %swap3A_35 = vector.shape_cast %convert_element_type3A_30 : vector<576xi32> to vector<1x1x576xi32>
    tpu.vector_store %arg3[%swap3A, %swap3A_31, %swap3A_32], %swap3A_35 {strides = array<i32>} : memref<8x1x576xi32, #tpu.memory_space<vmem>>, vector<1x1x576xi32>,
    %get3A_36 = arith.constant 0 : index
    %get3A_37 = arith.constant 0 : index
    %get3A_38 = vector.load %arg4[%get3A_36, %get3A_37] : memref<1x1xf32, #tpu.memory_space<vmem>>, vector<1x1xf32>
    %reduce_sum3A_39 = vector.shape_cast %broadcast_in_dim3A_21 : vector<1x576xf32> to vector<1x1x576xf32>
    %reduce_sum3A_40 = arith.constant dense<0.000000e+00> : vector<1xf32>
    %reduce_sum3A_41 = vector.multi_reduction <add>, %reduce_sum3A_39, %reduce_sum3A_40 [1, 2] : vector<1x1x576xf32> to vector<1xf32>
    %reduce_sum3A_42 = vector.shape_cast %reduce_sum3A_41 : vector<1xf32> to vector<1x1x1xf32>
    %reduce_sum3A_43 = vector.extract %reduce_sum3A_42[0, 0, 0] : f32 from vector<1x1x1xf32>
    %broadcast_in_dim3A_44 = vector.broadcast %reduce_sum3A_43 : f32 to vector<1x1xf32>
    %add3A_45 = arith.addf %get3A_38, %broadcast_in_dim3A_44 : vector<1x1xf32>
    %swap3A_46 = arith.constant 0 : index
    %swap3A_47 = arith.constant 0 : index
    %swap3A_48 = vector.load %arg4[%swap3A_46, %swap3A_47] : memref<1x1xf32, #tpu.memory_space<vmem>>, vector<1x1xf32>
    tpu.vector_store %arg4[%swap3A_46, %swap3A_47], %add3A_45 {strides = array<i32>} : memref<1x1xf32, #tpu.memory_space<vmem>>, vector<1x1xf32>,
    %get3A_49 = arith.constant 1 : index
    %get3A_50 = arith.constant 0 : index
    %get3A_51 = arith.constant 0 : index
    %get3A_52 = vector.load %arg1[%get3A_49, %get3A_50, %get3A_51] : memref<8x64x576xf32, #tpu.memory_space<vmem>>, vector<1x64x576xf32>
    %get3A_53 = vector.shape_cast %get3A_52 : vector<1x64x576xf32> to vector<64x576xf32>
    %dot_general3A_54 = arith.constant dense<0.000000e+00> : vector<1024x576xf32>
    %dot_general3A_55 = tpu.matmul %get3A_1, %get3A_53, %dot_general3A_54 {dimension_numbers = #tpu.dot_dimension_numbers<[1], [0], [0], [1], [0, 0, 1, 1], [], []>, transpose_lhs_hint = false} : vector<1024x64xf32>, vector<64x576xf32>, vector<1024x576xf32> -> vector<1024x576xf32>
    %mul3A_56 = arith.mulf %get3A_53, %get3A_53 : vector<64x576xf32>
    %reduce_sum3A_57 = arith.constant dense<0.000000e+00> : vector<576xf32>
    %reduce_sum3A_58 = vector.multi_reduction <add>, %mul3A_56, %reduce_sum3A_57 [0] : vector<64x576xf32> to vector<576xf32>
    %broadcast_in_dim3A_59 = vector.shape_cast %reduce_sum3A_58 : vector<576xf32> to vector<1x576xf32>
    %add3A_60 = vector.broadcast %broadcast_in_dim3A : vector<1024x1xf32> to vector<1024x576xf32>
    %add3A_61 = vector.broadcast %broadcast_in_dim3A_59 : vector<1x576xf32> to vector<1024x576xf32>
    %add3A_62 = arith.addf %add3A_60, %add3A_61 : vector<1024x576xf32>
    %mul3A_63 = arith.constant 2.000000e+00 : f32
    %mul3A_64 = vector.broadcast %mul3A_63 : f32 to vector<1024x576xf32>
    %mul3A_65 = arith.mulf %mul3A_64, %dot_general3A_55 : vector<1024x576xf32>
    %sub3A_66 = arith.subf %add3A_62, %mul3A_65 : vector<1024x576xf32>
    %reduce_min3A_67 = arith.constant dense<0x7F800000> : vector<576xf32>
    %reduce_min3A_68 = vector.multi_reduction <minimumf>, %sub3A_66, %reduce_min3A_67 [0] : vector<1024x576xf32> to vector<576xf32>
    %broadcast_in_dim3A_69 = vector.shape_cast %reduce_min3A_68 : vector<576xf32> to vector<1x576xf32>
    %iota3A_70 = tpu.iota {dimensions = array<i32: 0>} : vector<1024x1xi32>
    %convert_element_type3A_71 = arith.sitofp %iota3A_70 : vector<1024x1xi32> to vector<1024x1xf32>
    %broadcast_in_dim3A_72 = vector.shape_cast %convert_element_type3A_71 : vector<1024x1xf32> to vector<1024x1xf32>
    %broadcast_in_dim3A_73 = vector.broadcast %broadcast_in_dim3A_72 : vector<1024x1xf32> to vector<1024x576xf32>
    %eq3A_74 = vector.broadcast %broadcast_in_dim3A_69 : vector<1x576xf32> to vector<1024x576xf32>
    %eq3A_75 = arith.cmpf oeq, %sub3A_66, %eq3A_74 : vector<1024x576xf32>
    %jit3A_76 = arith.constant 1.024000e+03 : f32
    %broadcast_in_dim3A_77 = vector.broadcast %jit3A_76 : f32 to vector<1024x576xf32>
    %select_n3A_78 = arith.select %eq3A_75, %broadcast_in_dim3A_73, %broadcast_in_dim3A_77 : vector<1024x576xi1>, vector<1024x576xf32>
    %reduce_min3A_79 = arith.constant dense<0x7F800000> : vector<576xf32>
    %reduce_min3A_80 = vector.multi_reduction <minimumf>, %select_n3A_78, %reduce_min3A_79 [0] : vector<1024x576xf32> to vector<576xf32>
    %convert_element_type3A_81 = arith.fptosi %reduce_min3A_80 : vector<576xf32> to vector<576xi32>
    %swap3A_82 = arith.constant 1 : index
    %swap3A_83 = arith.constant 0 : index
    %swap3A_84 = arith.constant 0 : index
    %swap3A_85 = vector.load %arg3[%swap3A_82, %swap3A_83, %swap3A_84] : memref<8x1x576xi32, #tpu.memory_space<vmem>>, vector<1x1x576xi32>
    %swap3A_86 = vector.shape_cast %swap3A_85 : vector<1x1x576xi32> to vector<576xi32>
    %swap3A_87 = vector.shape_cast %convert_element_type3A_81 : vector<576xi32> to vector<1x1x576xi32>
    tpu.vector_store %arg3[%swap3A_82, %swap3A_83, %swap3A_84], %swap3A_87 {strides = array<i32>} : memref<8x1x576xi32, #tpu.memory_space<vmem>>, vector<1x1x576xi32>,
    %get3A_88 = arith.constant 0 : index
    %get3A_89 = arith.constant 0 : index
    %get3A_90 = vector.load %arg4[%get3A_88, %get3A_89] : memref<1x1xf32, #tpu.memory_space<vmem>>, vector<1x1xf32>
    %reduce_sum3A_91 = vector.shape_cast %broadcast_in_dim3A_69 : vector<1x576xf32> to vector<1x1x576xf32>
    %reduce_sum3A_92 = arith.constant dense<0.000000e+00> : vector<1xf32>
    %reduce_sum3A_93 = vector.multi_reduction <add>, %reduce_sum3A_91, %reduce_sum3A_92 [1, 2] : vector<1x1x576xf32> to vector<1xf32>
    %reduce_sum3A_94 = vector.shape_cast %reduce_sum3A_93 : vector<1xf32> to vector<1x1x1xf32>
    %reduce_sum3A_95 = vector.extract %reduce_sum3A_94[0, 0, 0] : f32 from vector<1x1x1xf32>
    %broadcast_in_dim3A_96 = vector.broadcast %reduce_sum3A_95 : f32 to vector<1x1xf32>
    %add3A_97 = arith.addf %get3A_90, %broadcast_in_dim3A_96 : vector<1x1xf32>
    %swap3A_98 = arith.constant 0 : index
    %swap3A_99 = arith.constant 0 : index
    %swap3A_100 = vector.load %arg4[%swap3A_98, %swap3A_99] : memref<1x1xf32, #tpu.memory_space<vmem>>, vector<1x1xf32>
    tpu.vector_store %arg4[%swap3A_98, %swap3A_99], %add3A_97 {strides = array<i32>} : memref<1x1xf32, #tpu.memory_space<vmem>>, vector<1x1xf32>,
    %get3A_101 = arith.constant 2 : index
    %get3A_102 = arith.constant 0 : index
    %get3A_103 = arith.constant 0 : index
    %get3A_104 = vector.load %arg1[%get3A_101, %get3A_102, %get3A_103] : memref<8x64x576xf32, #tpu.memory_space<vmem>>, vector<1x64x576xf32>
    %get3A_105 = vector.shape_cast %get3A_104 : vector<1x64x576xf32> to vector<64x576xf32>
    %dot_general3A_106 = arith.constant dense<0.000000e+00> : vector<1024x576xf32>
    %dot_general3A_107 = tpu.matmul %get3A_1, %get3A_105, %dot_general3A_106 {dimension_numbers = #tpu.dot_dimension_numbers<[1], [0], [0], [1], [0, 0, 1, 1], [], []>, transpose_lhs_hint = false} : vector<1024x64xf32>, vector<64x576xf32>, vector<1024x576xf32> -> vector<1024x576xf32>
    %mul3A_108 = arith.mulf %get3A_105, %get3A_105 : vector<64x576xf32>
    %reduce_sum3A_109 = arith.constant dense<0.000000e+00> : vector<576xf32>
    %reduce_sum3A_110 = vector.multi_reduction <add>, %mul3A_108, %reduce_sum3A_109 [0] : vector<64x576xf32> to vector<576xf32>
    %broadcast_in_dim3A_111 = vector.shape_cast %reduce_sum3A_110 : vector<576xf32> to vector<1x576xf32>
    %add3A_112 = vector.broadcast %broadcast_in_dim3A : vector<1024x1xf32> to vector<1024x576xf32>
    %add3A_113 = vector.broadcast %broadcast_in_dim3A_111 : vector<1x576xf32> to vector<1024x576xf32>
    %add3A_114 = arith.addf %add3A_112, %add3A_113 : vector<1024x576xf32>
    %mul3A_115 = arith.constant 2.000000e+00 : f32
    %mul3A_116 = vector.broadcast %mul3A_115 : f32 to vector<1024x576xf32>
    %mul3A_117 = arith.mulf %mul3A_116, %dot_general3A_107 : vector<1024x576xf32>
    %sub3A_118 = arith.subf %add3A_114, %mul3A_117 : vector<1024x576xf32>
    %reduce_min3A_119 = arith.constant dense<0x7F800000> : vector<576xf32>
    %reduce_min3A_120 = vector.multi_reduction <minimumf>, %sub3A_118, %reduce_min3A_119 [0] : vector<1024x576xf32> to vector<576xf32>
    %broadcast_in_dim3A_121 = vector.shape_cast %reduce_min3A_120 : vector<576xf32> to vector<1x576xf32>
    %iota3A_122 = tpu.iota {dimensions = array<i32: 0>} : vector<1024x1xi32>
    %convert_element_type3A_123 = arith.sitofp %iota3A_122 : vector<1024x1xi32> to vector<1024x1xf32>
    %broadcast_in_dim3A_124 = vector.shape_cast %convert_element_type3A_123 : vector<1024x1xf32> to vector<1024x1xf32>
    %broadcast_in_dim3A_125 = vector.broadcast %broadcast_in_dim3A_124 : vector<1024x1xf32> to vector<1024x576xf32>
    %eq3A_126 = vector.broadcast %broadcast_in_dim3A_121 : vector<1x576xf32> to vector<1024x576xf32>
    %eq3A_127 = arith.cmpf oeq, %sub3A_118, %eq3A_126 : vector<1024x576xf32>
    %jit3A_128 = arith.constant 1.024000e+03 : f32
    %broadcast_in_dim3A_129 = vector.broadcast %jit3A_128 : f32 to vector<1024x576xf32>
    %select_n3A_130 = arith.select %eq3A_127, %broadcast_in_dim3A_125, %broadcast_in_dim3A_129 : vector<1024x576xi1>, vector<1024x576xf32>
    %reduce_min3A_131 = arith.constant dense<0x7F800000> : vector<576xf32>
    %reduce_min3A_132 = vector.multi_reduction <minimumf>, %select_n3A_130, %reduce_min3A_131 [0] : vector<1024x576xf32> to vector<576xf32>
    %convert_element_type3A_133 = arith.fptosi %reduce_min3A_132 : vector<576xf32> to vector<576xi32>
    %swap3A_134 = arith.constant 2 : index
    %swap3A_135 = arith.constant 0 : index
    %swap3A_136 = arith.constant 0 : index
    %swap3A_137 = vector.load %arg3[%swap3A_134, %swap3A_135, %swap3A_136] : memref<8x1x576xi32, #tpu.memory_space<vmem>>, vector<1x1x576xi32>
    %swap3A_138 = vector.shape_cast %swap3A_137 : vector<1x1x576xi32> to vector<576xi32>
    %swap3A_139 = vector.shape_cast %convert_element_type3A_133 : vector<576xi32> to vector<1x1x576xi32>
    tpu.vector_store %arg3[%swap3A_134, %swap3A_135, %swap3A_136], %swap3A_139 {strides = array<i32>} : memref<8x1x576xi32, #tpu.memory_space<vmem>>, vector<1x1x576xi32>,
    %get3A_140 = arith.constant 0 : index
    %get3A_141 = arith.constant 0 : index
    %get3A_142 = vector.load %arg4[%get3A_140, %get3A_141] : memref<1x1xf32, #tpu.memory_space<vmem>>, vector<1x1xf32>
    %reduce_sum3A_143 = vector.shape_cast %broadcast_in_dim3A_121 : vector<1x576xf32> to vector<1x1x576xf32>
    %reduce_sum3A_144 = arith.constant dense<0.000000e+00> : vector<1xf32>
    %reduce_sum3A_145 = vector.multi_reduction <add>, %reduce_sum3A_143, %reduce_sum3A_144 [1, 2] : vector<1x1x576xf32> to vector<1xf32>
    %reduce_sum3A_146 = vector.shape_cast %reduce_sum3A_145 : vector<1xf32> to vector<1x1x1xf32>
    %reduce_sum3A_147 = vector.extract %reduce_sum3A_146[0, 0, 0] : f32 from vector<1x1x1xf32>
    %broadcast_in_dim3A_148 = vector.broadcast %reduce_sum3A_147 : f32 to vector<1x1xf32>
    %add3A_149 = arith.addf %get3A_142, %broadcast_in_dim3A_148 : vector<1x1xf32>
    %swap3A_150 = arith.constant 0 : index
    %swap3A_151 = arith.constant 0 : index
    %swap3A_152 = vector.load %arg4[%swap3A_150, %swap3A_151] : memref<1x1xf32, #tpu.memory_space<vmem>>, vector<1x1xf32>
    tpu.vector_store %arg4[%swap3A_150, %swap3A_151], %add3A_149 {strides = array<i32>} : memref<1x1xf32, #tpu.memory_space<vmem>>, vector<1x1xf32>,
    %get3A_153 = arith.constant 3 : index
    %get3A_154 = arith.constant 0 : index
    %get3A_155 = arith.constant 0 : index
    %get3A_156 = vector.load %arg1[%get3A_153, %get3A_154, %get3A_155] : memref<8x64x576xf32, #tpu.memory_space<vmem>>, vector<1x64x576xf32>
    %get3A_157 = vector.shape_cast %get3A_156 : vector<1x64x576xf32> to vector<64x576xf32>
    %dot_general3A_158 = arith.constant dense<0.000000e+00> : vector<1024x576xf32>
    %dot_general3A_159 = tpu.matmul %get3A_1, %get3A_157, %dot_general3A_158 {dimension_numbers = #tpu.dot_dimension_numbers<[1], [0], [0], [1], [0, 0, 1, 1], [], []>, transpose_lhs_hint = false} : vector<1024x64xf32>, vector<64x576xf32>, vector<1024x576xf32> -> vector<1024x576xf32>
    %mul3A_160 = arith.mulf %get3A_157, %get3A_157 : vector<64x576xf32>
    %reduce_sum3A_161 = arith.constant dense<0.000000e+00> : vector<576xf32>
    %reduce_sum3A_162 = vector.multi_reduction <add>, %mul3A_160, %reduce_sum3A_161 [0] : vector<64x576xf32> to vector<576xf32>
    %broadcast_in_dim3A_163 = vector.shape_cast %reduce_sum3A_162 : vector<576xf32> to vector<1x576xf32>
    %add3A_164 = vector.broadcast %broadcast_in_dim3A : vector<1024x1xf32> to vector<1024x576xf32>
    %add3A_165 = vector.broadcast %broadcast_in_dim3A_163 : vector<1x576xf32> to vector<1024x576xf32>
    %add3A_166 = arith.addf %add3A_164, %add3A_165 : vector<1024x576xf32>
    %mul3A_167 = arith.constant 2.000000e+00 : f32
    %mul3A_168 = vector.broadcast %mul3A_167 : f32 to vector<1024x576xf32>
    %mul3A_169 = arith.mulf %mul3A_168, %dot_general3A_159 : vector<1024x576xf32>
    %sub3A_170 = arith.subf %add3A_166, %mul3A_169 : vector<1024x576xf32>
    %reduce_min3A_171 = arith.constant dense<0x7F800000> : vector<576xf32>
    %reduce_min3A_172 = vector.multi_reduction <minimumf>, %sub3A_170, %reduce_min3A_171 [0] : vector<1024x576xf32> to vector<576xf32>
    %broadcast_in_dim3A_173 = vector.shape_cast %reduce_min3A_172 : vector<576xf32> to vector<1x576xf32>
    %iota3A_174 = tpu.iota {dimensions = array<i32: 0>} : vector<1024x1xi32>
    %convert_element_type3A_175 = arith.sitofp %iota3A_174 : vector<1024x1xi32> to vector<1024x1xf32>
    %broadcast_in_dim3A_176 = vector.shape_cast %convert_element_type3A_175 : vector<1024x1xf32> to vector<1024x1xf32>
    %broadcast_in_dim3A_177 = vector.broadcast %broadcast_in_dim3A_176 : vector<1024x1xf32> to vector<1024x576xf32>
    %eq3A_178 = vector.broadcast %broadcast_in_dim3A_173 : vector<1x576xf32> to vector<1024x576xf32>
    %eq3A_179 = arith.cmpf oeq, %sub3A_170, %eq3A_178 : vector<1024x576xf32>
    %jit3A_180 = arith.constant 1.024000e+03 : f32
    %broadcast_in_dim3A_181 = vector.broadcast %jit3A_180 : f32 to vector<1024x576xf32>
    %select_n3A_182 = arith.select %eq3A_179, %broadcast_in_dim3A_177, %broadcast_in_dim3A_181 : vector<1024x576xi1>, vector<1024x576xf32>
    %reduce_min3A_183 = arith.constant dense<0x7F800000> : vector<576xf32>
    %reduce_min3A_184 = vector.multi_reduction <minimumf>, %select_n3A_182, %reduce_min3A_183 [0] : vector<1024x576xf32> to vector<576xf32>
    %convert_element_type3A_185 = arith.fptosi %reduce_min3A_184 : vector<576xf32> to vector<576xi32>
    %swap3A_186 = arith.constant 3 : index
    %swap3A_187 = arith.constant 0 : index
    %swap3A_188 = arith.constant 0 : index
    %swap3A_189 = vector.load %arg3[%swap3A_186, %swap3A_187, %swap3A_188] : memref<8x1x576xi32, #tpu.memory_space<vmem>>, vector<1x1x576xi32>
    %swap3A_190 = vector.shape_cast %swap3A_189 : vector<1x1x576xi32> to vector<576xi32>
    %swap3A_191 = vector.shape_cast %convert_element_type3A_185 : vector<576xi32> to vector<1x1x576xi32>
    tpu.vector_store %arg3[%swap3A_186, %swap3A_187, %swap3A_188], %swap3A_191 {strides = array<i32>} : memref<8x1x576xi32, #tpu.memory_space<vmem>>, vector<1x1x576xi32>,
    %get3A_192 = arith.constant 0 : index
    %get3A_193 = arith.constant 0 : index
    %get3A_194 = vector.load %arg4[%get3A_192, %get3A_193] : memref<1x1xf32, #tpu.memory_space<vmem>>, vector<1x1xf32>
    %reduce_sum3A_195 = vector.shape_cast %broadcast_in_dim3A_173 : vector<1x576xf32> to vector<1x1x576xf32>
    %reduce_sum3A_196 = arith.constant dense<0.000000e+00> : vector<1xf32>
    %reduce_sum3A_197 = vector.multi_reduction <add>, %reduce_sum3A_195, %reduce_sum3A_196 [1, 2] : vector<1x1x576xf32> to vector<1xf32>
    %reduce_sum3A_198 = vector.shape_cast %reduce_sum3A_197 : vector<1xf32> to vector<1x1x1xf32>
    %reduce_sum3A_199 = vector.extract %reduce_sum3A_198[0, 0, 0] : f32 from vector<1x1x1xf32>
    %broadcast_in_dim3A_200 = vector.broadcast %reduce_sum3A_199 : f32 to vector<1x1xf32>
    %add3A_201 = arith.addf %get3A_194, %broadcast_in_dim3A_200 : vector<1x1xf32>
    %swap3A_202 = arith.constant 0 : index
    %swap3A_203 = arith.constant 0 : index
    %swap3A_204 = vector.load %arg4[%swap3A_202, %swap3A_203] : memref<1x1xf32, #tpu.memory_space<vmem>>, vector<1x1xf32>
    tpu.vector_store %arg4[%swap3A_202, %swap3A_203], %add3A_201 {strides = array<i32>} : memref<1x1xf32, #tpu.memory_space<vmem>>, vector<1x1xf32>,
    %get3A_205 = arith.constant 4 : index
    %get3A_206 = arith.constant 0 : index
    %get3A_207 = arith.constant 0 : index
    %get3A_208 = vector.load %arg1[%get3A_205, %get3A_206, %get3A_207] : memref<8x64x576xf32, #tpu.memory_space<vmem>>, vector<1x64x576xf32>
    %get3A_209 = vector.shape_cast %get3A_208 : vector<1x64x576xf32> to vector<64x576xf32>
    %dot_general3A_210 = arith.constant dense<0.000000e+00> : vector<1024x576xf32>
    %dot_general3A_211 = tpu.matmul %get3A_1, %get3A_209, %dot_general3A_210 {dimension_numbers = #tpu.dot_dimension_numbers<[1], [0], [0], [1], [0, 0, 1, 1], [], []>, transpose_lhs_hint = false} : vector<1024x64xf32>, vector<64x576xf32>, vector<1024x576xf32> -> vector<1024x576xf32>
    %mul3A_212 = arith.mulf %get3A_209, %get3A_209 : vector<64x576xf32>
    %reduce_sum3A_213 = arith.constant dense<0.000000e+00> : vector<576xf32>
    %reduce_sum3A_214 = vector.multi_reduction <add>, %mul3A_212, %reduce_sum3A_213 [0] : vector<64x576xf32> to vector<576xf32>
    %broadcast_in_dim3A_215 = vector.shape_cast %reduce_sum3A_214 : vector<576xf32> to vector<1x576xf32>
    %add3A_216 = vector.broadcast %broadcast_in_dim3A : vector<1024x1xf32> to vector<1024x576xf32>
    %add3A_217 = vector.broadcast %broadcast_in_dim3A_215 : vector<1x576xf32> to vector<1024x576xf32>
    %add3A_218 = arith.addf %add3A_216, %add3A_217 : vector<1024x576xf32>
    %mul3A_219 = arith.constant 2.000000e+00 : f32
    %mul3A_220 = vector.broadcast %mul3A_219 : f32 to vector<1024x576xf32>
    %mul3A_221 = arith.mulf %mul3A_220, %dot_general3A_211 : vector<1024x576xf32>
    %sub3A_222 = arith.subf %add3A_218, %mul3A_221 : vector<1024x576xf32>
    %reduce_min3A_223 = arith.constant dense<0x7F800000> : vector<576xf32>
    %reduce_min3A_224 = vector.multi_reduction <minimumf>, %sub3A_222, %reduce_min3A_223 [0] : vector<1024x576xf32> to vector<576xf32>
    %broadcast_in_dim3A_225 = vector.shape_cast %reduce_min3A_224 : vector<576xf32> to vector<1x576xf32>
    %iota3A_226 = tpu.iota {dimensions = array<i32: 0>} : vector<1024x1xi32>
    %convert_element_type3A_227 = arith.sitofp %iota3A_226 : vector<1024x1xi32> to vector<1024x1xf32>
    %broadcast_in_dim3A_228 = vector.shape_cast %convert_element_type3A_227 : vector<1024x1xf32> to vector<1024x1xf32>
    %broadcast_in_dim3A_229 = vector.broadcast %broadcast_in_dim3A_228 : vector<1024x1xf32> to vector<1024x576xf32>
    %eq3A_230 = vector.broadcast %broadcast_in_dim3A_225 : vector<1x576xf32> to vector<1024x576xf32>
    %eq3A_231 = arith.cmpf oeq, %sub3A_222, %eq3A_230 : vector<1024x576xf32>
    %jit3A_232 = arith.constant 1.024000e+03 : f32
    %broadcast_in_dim3A_233 = vector.broadcast %jit3A_232 : f32 to vector<1024x576xf32>
    %select_n3A_234 = arith.select %eq3A_231, %broadcast_in_dim3A_229, %broadcast_in_dim3A_233 : vector<1024x576xi1>, vector<1024x576xf32>
    %reduce_min3A_235 = arith.constant dense<0x7F800000> : vector<576xf32>
    %reduce_min3A_236 = vector.multi_reduction <minimumf>, %select_n3A_234, %reduce_min3A_235 [0] : vector<1024x576xf32> to vector<576xf32>
    %convert_element_type3A_237 = arith.fptosi %reduce_min3A_236 : vector<576xf32> to vector<576xi32>
    %swap3A_238 = arith.constant 4 : index
    %swap3A_239 = arith.constant 0 : index
    %swap3A_240 = arith.constant 0 : index
    %swap3A_241 = vector.load %arg3[%swap3A_238, %swap3A_239, %swap3A_240] : memref<8x1x576xi32, #tpu.memory_space<vmem>>, vector<1x1x576xi32>
    %swap3A_242 = vector.shape_cast %swap3A_241 : vector<1x1x576xi32> to vector<576xi32>
    %swap3A_243 = vector.shape_cast %convert_element_type3A_237 : vector<576xi32> to vector<1x1x576xi32>
    tpu.vector_store %arg3[%swap3A_238, %swap3A_239, %swap3A_240], %swap3A_243 {strides = array<i32>} : memref<8x1x576xi32, #tpu.memory_space<vmem>>, vector<1x1x576xi32>,
    %get3A_244 = arith.constant 0 : index
    %get3A_245 = arith.constant 0 : index
    %get3A_246 = vector.load %arg4[%get3A_244, %get3A_245] : memref<1x1xf32, #tpu.memory_space<vmem>>, vector<1x1xf32>
    %reduce_sum3A_247 = vector.shape_cast %broadcast_in_dim3A_225 : vector<1x576xf32> to vector<1x1x576xf32>
    %reduce_sum3A_248 = arith.constant dense<0.000000e+00> : vector<1xf32>
    %reduce_sum3A_249 = vector.multi_reduction <add>, %reduce_sum3A_247, %reduce_sum3A_248 [1, 2] : vector<1x1x576xf32> to vector<1xf32>
    %reduce_sum3A_250 = vector.shape_cast %reduce_sum3A_249 : vector<1xf32> to vector<1x1x1xf32>
    %reduce_sum3A_251 = vector.extract %reduce_sum3A_250[0, 0, 0] : f32 from vector<1x1x1xf32>
    %broadcast_in_dim3A_252 = vector.broadcast %reduce_sum3A_251 : f32 to vector<1x1xf32>
    %add3A_253 = arith.addf %get3A_246, %broadcast_in_dim3A_252 : vector<1x1xf32>
    %swap3A_254 = arith.constant 0 : index
    %swap3A_255 = arith.constant 0 : index
    %swap3A_256 = vector.load %arg4[%swap3A_254, %swap3A_255] : memref<1x1xf32, #tpu.memory_space<vmem>>, vector<1x1xf32>
    tpu.vector_store %arg4[%swap3A_254, %swap3A_255], %add3A_253 {strides = array<i32>} : memref<1x1xf32, #tpu.memory_space<vmem>>, vector<1x1xf32>,
    %get3A_257 = arith.constant 5 : index
    %get3A_258 = arith.constant 0 : index
    %get3A_259 = arith.constant 0 : index
    %get3A_260 = vector.load %arg1[%get3A_257, %get3A_258, %get3A_259] : memref<8x64x576xf32, #tpu.memory_space<vmem>>, vector<1x64x576xf32>
    %get3A_261 = vector.shape_cast %get3A_260 : vector<1x64x576xf32> to vector<64x576xf32>
    %dot_general3A_262 = arith.constant dense<0.000000e+00> : vector<1024x576xf32>
    %dot_general3A_263 = tpu.matmul %get3A_1, %get3A_261, %dot_general3A_262 {dimension_numbers = #tpu.dot_dimension_numbers<[1], [0], [0], [1], [0, 0, 1, 1], [], []>, transpose_lhs_hint = false} : vector<1024x64xf32>, vector<64x576xf32>, vector<1024x576xf32> -> vector<1024x576xf32>
    %mul3A_264 = arith.mulf %get3A_261, %get3A_261 : vector<64x576xf32>
    %reduce_sum3A_265 = arith.constant dense<0.000000e+00> : vector<576xf32>
    %reduce_sum3A_266 = vector.multi_reduction <add>, %mul3A_264, %reduce_sum3A_265 [0] : vector<64x576xf32> to vector<576xf32>
    %broadcast_in_dim3A_267 = vector.shape_cast %reduce_sum3A_266 : vector<576xf32> to vector<1x576xf32>
    %add3A_268 = vector.broadcast %broadcast_in_dim3A : vector<1024x1xf32> to vector<1024x576xf32>
    %add3A_269 = vector.broadcast %broadcast_in_dim3A_267 : vector<1x576xf32> to vector<1024x576xf32>
    %add3A_270 = arith.addf %add3A_268, %add3A_269 : vector<1024x576xf32>
    %mul3A_271 = arith.constant 2.000000e+00 : f32
    %mul3A_272 = vector.broadcast %mul3A_271 : f32 to vector<1024x576xf32>
    %mul3A_273 = arith.mulf %mul3A_272, %dot_general3A_263 : vector<1024x576xf32>
    %sub3A_274 = arith.subf %add3A_270, %mul3A_273 : vector<1024x576xf32>
    %reduce_min3A_275 = arith.constant dense<0x7F800000> : vector<576xf32>
    %reduce_min3A_276 = vector.multi_reduction <minimumf>, %sub3A_274, %reduce_min3A_275 [0] : vector<1024x576xf32> to vector<576xf32>
    %broadcast_in_dim3A_277 = vector.shape_cast %reduce_min3A_276 : vector<576xf32> to vector<1x576xf32>
    %iota3A_278 = tpu.iota {dimensions = array<i32: 0>} : vector<1024x1xi32>
    %convert_element_type3A_279 = arith.sitofp %iota3A_278 : vector<1024x1xi32> to vector<1024x1xf32>
    %broadcast_in_dim3A_280 = vector.shape_cast %convert_element_type3A_279 : vector<1024x1xf32> to vector<1024x1xf32>
    %broadcast_in_dim3A_281 = vector.broadcast %broadcast_in_dim3A_280 : vector<1024x1xf32> to vector<1024x576xf32>
    %eq3A_282 = vector.broadcast %broadcast_in_dim3A_277 : vector<1x576xf32> to vector<1024x576xf32>
    %eq3A_283 = arith.cmpf oeq, %sub3A_274, %eq3A_282 : vector<1024x576xf32>
    %jit3A_284 = arith.constant 1.024000e+03 : f32
    %broadcast_in_dim3A_285 = vector.broadcast %jit3A_284 : f32 to vector<1024x576xf32>
    %select_n3A_286 = arith.select %eq3A_283, %broadcast_in_dim3A_281, %broadcast_in_dim3A_285 : vector<1024x576xi1>, vector<1024x576xf32>
    %reduce_min3A_287 = arith.constant dense<0x7F800000> : vector<576xf32>
    %reduce_min3A_288 = vector.multi_reduction <minimumf>, %select_n3A_286, %reduce_min3A_287 [0] : vector<1024x576xf32> to vector<576xf32>
    %convert_element_type3A_289 = arith.fptosi %reduce_min3A_288 : vector<576xf32> to vector<576xi32>
    %swap3A_290 = arith.constant 5 : index
    %swap3A_291 = arith.constant 0 : index
    %swap3A_292 = arith.constant 0 : index
    %swap3A_293 = vector.load %arg3[%swap3A_290, %swap3A_291, %swap3A_292] : memref<8x1x576xi32, #tpu.memory_space<vmem>>, vector<1x1x576xi32>
    %swap3A_294 = vector.shape_cast %swap3A_293 : vector<1x1x576xi32> to vector<576xi32>
    %swap3A_295 = vector.shape_cast %convert_element_type3A_289 : vector<576xi32> to vector<1x1x576xi32>
    tpu.vector_store %arg3[%swap3A_290, %swap3A_291, %swap3A_292], %swap3A_295 {strides = array<i32>} : memref<8x1x576xi32, #tpu.memory_space<vmem>>, vector<1x1x576xi32>,
    %get3A_296 = arith.constant 0 : index
    %get3A_297 = arith.constant 0 : index
    %get3A_298 = vector.load %arg4[%get3A_296, %get3A_297] : memref<1x1xf32, #tpu.memory_space<vmem>>, vector<1x1xf32>
    %reduce_sum3A_299 = vector.shape_cast %broadcast_in_dim3A_277 : vector<1x576xf32> to vector<1x1x576xf32>
    %reduce_sum3A_300 = arith.constant dense<0.000000e+00> : vector<1xf32>
    %reduce_sum3A_301 = vector.multi_reduction <add>, %reduce_sum3A_299, %reduce_sum3A_300 [1, 2] : vector<1x1x576xf32> to vector<1xf32>
    %reduce_sum3A_302 = vector.shape_cast %reduce_sum3A_301 : vector<1xf32> to vector<1x1x1xf32>
    %reduce_sum3A_303 = vector.extract %reduce_sum3A_302[0, 0, 0] : f32 from vector<1x1x1xf32>
    %broadcast_in_dim3A_304 = vector.broadcast %reduce_sum3A_303 : f32 to vector<1x1xf32>
    %add3A_305 = arith.addf %get3A_298, %broadcast_in_dim3A_304 : vector<1x1xf32>
    %swap3A_306 = arith.constant 0 : index
    %swap3A_307 = arith.constant 0 : index
    %swap3A_308 = vector.load %arg4[%swap3A_306, %swap3A_307] : memref<1x1xf32, #tpu.memory_space<vmem>>, vector<1x1xf32>
    tpu.vector_store %arg4[%swap3A_306, %swap3A_307], %add3A_305 {strides = array<i32>} : memref<1x1xf32, #tpu.memory_space<vmem>>, vector<1x1xf32>,
    %get3A_309 = arith.constant 6 : index
    %get3A_310 = arith.constant 0 : index
    %get3A_311 = arith.constant 0 : index
    %get3A_312 = vector.load %arg1[%get3A_309, %get3A_310, %get3A_311] : memref<8x64x576xf32, #tpu.memory_space<vmem>>, vector<1x64x576xf32>
    %get3A_313 = vector.shape_cast %get3A_312 : vector<1x64x576xf32> to vector<64x576xf32>
    %dot_general3A_314 = arith.constant dense<0.000000e+00> : vector<1024x576xf32>
    %dot_general3A_315 = tpu.matmul %get3A_1, %get3A_313, %dot_general3A_314 {dimension_numbers = #tpu.dot_dimension_numbers<[1], [0], [0], [1], [0, 0, 1, 1], [], []>, transpose_lhs_hint = false} : vector<1024x64xf32>, vector<64x576xf32>, vector<1024x576xf32> -> vector<1024x576xf32>
    %mul3A_316 = arith.mulf %get3A_313, %get3A_313 : vector<64x576xf32>
    %reduce_sum3A_317 = arith.constant dense<0.000000e+00> : vector<576xf32>
    %reduce_sum3A_318 = vector.multi_reduction <add>, %mul3A_316, %reduce_sum3A_317 [0] : vector<64x576xf32> to vector<576xf32>
    %broadcast_in_dim3A_319 = vector.shape_cast %reduce_sum3A_318 : vector<576xf32> to vector<1x576xf32>
    %add3A_320 = vector.broadcast %broadcast_in_dim3A : vector<1024x1xf32> to vector<1024x576xf32>
    %add3A_321 = vector.broadcast %broadcast_in_dim3A_319 : vector<1x576xf32> to vector<1024x576xf32>
    %add3A_322 = arith.addf %add3A_320, %add3A_321 : vector<1024x576xf32>
    %mul3A_323 = arith.constant 2.000000e+00 : f32
    %mul3A_324 = vector.broadcast %mul3A_323 : f32 to vector<1024x576xf32>
    %mul3A_325 = arith.mulf %mul3A_324, %dot_general3A_315 : vector<1024x576xf32>
    %sub3A_326 = arith.subf %add3A_322, %mul3A_325 : vector<1024x576xf32>
    %reduce_min3A_327 = arith.constant dense<0x7F800000> : vector<576xf32>
    %reduce_min3A_328 = vector.multi_reduction <minimumf>, %sub3A_326, %reduce_min3A_327 [0] : vector<1024x576xf32> to vector<576xf32>
    %broadcast_in_dim3A_329 = vector.shape_cast %reduce_min3A_328 : vector<576xf32> to vector<1x576xf32>
    %iota3A_330 = tpu.iota {dimensions = array<i32: 0>} : vector<1024x1xi32>
    %convert_element_type3A_331 = arith.sitofp %iota3A_330 : vector<1024x1xi32> to vector<1024x1xf32>
    %broadcast_in_dim3A_332 = vector.shape_cast %convert_element_type3A_331 : vector<1024x1xf32> to vector<1024x1xf32>
    %broadcast_in_dim3A_333 = vector.broadcast %broadcast_in_dim3A_332 : vector<1024x1xf32> to vector<1024x576xf32>
    %eq3A_334 = vector.broadcast %broadcast_in_dim3A_329 : vector<1x576xf32> to vector<1024x576xf32>
    %eq3A_335 = arith.cmpf oeq, %sub3A_326, %eq3A_334 : vector<1024x576xf32>
    %jit3A_336 = arith.constant 1.024000e+03 : f32
    %broadcast_in_dim3A_337 = vector.broadcast %jit3A_336 : f32 to vector<1024x576xf32>
    %select_n3A_338 = arith.select %eq3A_335, %broadcast_in_dim3A_333, %broadcast_in_dim3A_337 : vector<1024x576xi1>, vector<1024x576xf32>
    %reduce_min3A_339 = arith.constant dense<0x7F800000> : vector<576xf32>
    %reduce_min3A_340 = vector.multi_reduction <minimumf>, %select_n3A_338, %reduce_min3A_339 [0] : vector<1024x576xf32> to vector<576xf32>
    %convert_element_type3A_341 = arith.fptosi %reduce_min3A_340 : vector<576xf32> to vector<576xi32>
    %swap3A_342 = arith.constant 6 : index
    %swap3A_343 = arith.constant 0 : index
    %swap3A_344 = arith.constant 0 : index
    %swap3A_345 = vector.load %arg3[%swap3A_342, %swap3A_343, %swap3A_344] : memref<8x1x576xi32, #tpu.memory_space<vmem>>, vector<1x1x576xi32>
    %swap3A_346 = vector.shape_cast %swap3A_345 : vector<1x1x576xi32> to vector<576xi32>
    %swap3A_347 = vector.shape_cast %convert_element_type3A_341 : vector<576xi32> to vector<1x1x576xi32>
    tpu.vector_store %arg3[%swap3A_342, %swap3A_343, %swap3A_344], %swap3A_347 {strides = array<i32>} : memref<8x1x576xi32, #tpu.memory_space<vmem>>, vector<1x1x576xi32>,
    %get3A_348 = arith.constant 0 : index
    %get3A_349 = arith.constant 0 : index
    %get3A_350 = vector.load %arg4[%get3A_348, %get3A_349] : memref<1x1xf32, #tpu.memory_space<vmem>>, vector<1x1xf32>
    %reduce_sum3A_351 = vector.shape_cast %broadcast_in_dim3A_329 : vector<1x576xf32> to vector<1x1x576xf32>
    %reduce_sum3A_352 = arith.constant dense<0.000000e+00> : vector<1xf32>
    %reduce_sum3A_353 = vector.multi_reduction <add>, %reduce_sum3A_351, %reduce_sum3A_352 [1, 2] : vector<1x1x576xf32> to vector<1xf32>
    %reduce_sum3A_354 = vector.shape_cast %reduce_sum3A_353 : vector<1xf32> to vector<1x1x1xf32>
    %reduce_sum3A_355 = vector.extract %reduce_sum3A_354[0, 0, 0] : f32 from vector<1x1x1xf32>
    %broadcast_in_dim3A_356 = vector.broadcast %reduce_sum3A_355 : f32 to vector<1x1xf32>
    %add3A_357 = arith.addf %get3A_350, %broadcast_in_dim3A_356 : vector<1x1xf32>
    %swap3A_358 = arith.constant 0 : index
    %swap3A_359 = arith.constant 0 : index
    %swap3A_360 = vector.load %arg4[%swap3A_358, %swap3A_359] : memref<1x1xf32, #tpu.memory_space<vmem>>, vector<1x1xf32>
    tpu.vector_store %arg4[%swap3A_358, %swap3A_359], %add3A_357 {strides = array<i32>} : memref<1x1xf32, #tpu.memory_space<vmem>>, vector<1x1xf32>,
    %get3A_361 = arith.constant 7 : index
    %get3A_362 = arith.constant 0 : index
    %get3A_363 = arith.constant 0 : index
    %get3A_364 = vector.load %arg1[%get3A_361, %get3A_362, %get3A_363] : memref<8x64x576xf32, #tpu.memory_space<vmem>>, vector<1x64x576xf32>
    %get3A_365 = vector.shape_cast %get3A_364 : vector<1x64x576xf32> to vector<64x576xf32>
    %dot_general3A_366 = arith.constant dense<0.000000e+00> : vector<1024x576xf32>
    %dot_general3A_367 = tpu.matmul %get3A_1, %get3A_365, %dot_general3A_366 {dimension_numbers = #tpu.dot_dimension_numbers<[1], [0], [0], [1], [0, 0, 1, 1], [], []>, transpose_lhs_hint = false} : vector<1024x64xf32>, vector<64x576xf32>, vector<1024x576xf32> -> vector<1024x576xf32>
    %mul3A_368 = arith.mulf %get3A_365, %get3A_365 : vector<64x576xf32>
    %reduce_sum3A_369 = arith.constant dense<0.000000e+00> : vector<576xf32>
    %reduce_sum3A_370 = vector.multi_reduction <add>, %mul3A_368, %reduce_sum3A_369 [0] : vector<64x576xf32> to vector<576xf32>
    %broadcast_in_dim3A_371 = vector.shape_cast %reduce_sum3A_370 : vector<576xf32> to vector<1x576xf32>
    %add3A_372 = vector.broadcast %broadcast_in_dim3A : vector<1024x1xf32> to vector<1024x576xf32>
    %add3A_373 = vector.broadcast %broadcast_in_dim3A_371 : vector<1x576xf32> to vector<1024x576xf32>
    %add3A_374 = arith.addf %add3A_372, %add3A_373 : vector<1024x576xf32>
    %mul3A_375 = arith.constant 2.000000e+00 : f32
    %mul3A_376 = vector.broadcast %mul3A_375 : f32 to vector<1024x576xf32>
    %mul3A_377 = arith.mulf %mul3A_376, %dot_general3A_367 : vector<1024x576xf32>
    %sub3A_378 = arith.subf %add3A_374, %mul3A_377 : vector<1024x576xf32>
    %reduce_min3A_379 = arith.constant dense<0x7F800000> : vector<576xf32>
    %reduce_min3A_380 = vector.multi_reduction <minimumf>, %sub3A_378, %reduce_min3A_379 [0] : vector<1024x576xf32> to vector<576xf32>
    %broadcast_in_dim3A_381 = vector.shape_cast %reduce_min3A_380 : vector<576xf32> to vector<1x576xf32>
    %iota3A_382 = tpu.iota {dimensions = array<i32: 0>} : vector<1024x1xi32>
    %convert_element_type3A_383 = arith.sitofp %iota3A_382 : vector<1024x1xi32> to vector<1024x1xf32>
    %broadcast_in_dim3A_384 = vector.shape_cast %convert_element_type3A_383 : vector<1024x1xf32> to vector<1024x1xf32>
    %broadcast_in_dim3A_385 = vector.broadcast %broadcast_in_dim3A_384 : vector<1024x1xf32> to vector<1024x576xf32>
    %eq3A_386 = vector.broadcast %broadcast_in_dim3A_381 : vector<1x576xf32> to vector<1024x576xf32>
    %eq3A_387 = arith.cmpf oeq, %sub3A_378, %eq3A_386 : vector<1024x576xf32>
    %jit3A_388 = arith.constant 1.024000e+03 : f32
    %broadcast_in_dim3A_389 = vector.broadcast %jit3A_388 : f32 to vector<1024x576xf32>
    %select_n3A_390 = arith.select %eq3A_387, %broadcast_in_dim3A_385, %broadcast_in_dim3A_389 : vector<1024x576xi1>, vector<1024x576xf32>
    %reduce_min3A_391 = arith.constant dense<0x7F800000> : vector<576xf32>
    %reduce_min3A_392 = vector.multi_reduction <minimumf>, %select_n3A_390, %reduce_min3A_391 [0] : vector<1024x576xf32> to vector<576xf32>
    %convert_element_type3A_393 = arith.fptosi %reduce_min3A_392 : vector<576xf32> to vector<576xi32>
    %swap3A_394 = arith.constant 7 : index
    %swap3A_395 = arith.constant 0 : index
    %swap3A_396 = arith.constant 0 : index
    %swap3A_397 = vector.load %arg3[%swap3A_394, %swap3A_395, %swap3A_396] : memref<8x1x576xi32, #tpu.memory_space<vmem>>, vector<1x1x576xi32>
    %swap3A_398 = vector.shape_cast %swap3A_397 : vector<1x1x576xi32> to vector<576xi32>
    %swap3A_399 = vector.shape_cast %convert_element_type3A_393 : vector<576xi32> to vector<1x1x576xi32>
    tpu.vector_store %arg3[%swap3A_394, %swap3A_395, %swap3A_396], %swap3A_399 {strides = array<i32>} : memref<8x1x576xi32, #tpu.memory_space<vmem>>, vector<1x1x576xi32>,
    %get3A_400 = arith.constant 0 : index
    %get3A_401 = arith.constant 0 : index
    %get3A_402 = vector.load %arg4[%get3A_400, %get3A_401] : memref<1x1xf32, #tpu.memory_space<vmem>>, vector<1x1xf32>
    %reduce_sum3A_403 = vector.shape_cast %broadcast_in_dim3A_381 : vector<1x576xf32> to vector<1x1x576xf32>
    %reduce_sum3A_404 = arith.constant dense<0.000000e+00> : vector<1xf32>
    %reduce_sum3A_405 = vector.multi_reduction <add>, %reduce_sum3A_403, %reduce_sum3A_404 [1, 2] : vector<1x1x576xf32> to vector<1xf32>
    %reduce_sum3A_406 = vector.shape_cast %reduce_sum3A_405 : vector<1xf32> to vector<1x1x1xf32>
    %reduce_sum3A_407 = vector.extract %reduce_sum3A_406[0, 0, 0] : f32 from vector<1x1x1xf32>
    %broadcast_in_dim3A_408 = vector.broadcast %reduce_sum3A_407 : f32 to vector<1x1xf32>
    %add3A_409 = arith.addf %get3A_402, %broadcast_in_dim3A_408 : vector<1x1xf32>
    %swap3A_410 = arith.constant 0 : index
    %swap3A_411 = arith.constant 0 : index
    %swap3A_412 = vector.load %arg4[%swap3A_410, %swap3A_411] : memref<1x1xf32, #tpu.memory_space<vmem>>, vector<1x1xf32>
    tpu.vector_store %arg4[%swap3A_410, %swap3A_411], %add3A_409 {strides = array<i32>} : memref<1x1xf32, #tpu.memory_space<vmem>>, vector<1x1xf32>,
    return
  }
  func.func @transform_0(%arg0: i32) -> (i32, i32, i32) {
    %c0_i32 = arith.constant 0 : i32
    %c0_i32_0 = arith.constant 0 : i32
    %c0_i32_1 = arith.constant 0 : i32
    return %arg0, %c0_i32, %c0_i32_0 : i32, i32, i32
  }
  func.func @transform_1(%arg0: i32) -> (i32, i32) {
    %c0_i32 = arith.constant 0 : i32
    %c0_i32_0 = arith.constant 0 : i32
    %c0_i32_1 = arith.constant 0 : i32
    return %c0_i32, %c0_i32_0 : i32, i32
  }
  func.func @transform_2(%arg0: i32) -> (i32, i32, i32) {
    %c0_i32 = arith.constant 0 : i32
    %c0_i32_0 = arith.constant 0 : i32
    %c0_i32_1 = arith.constant 0 : i32
    return %arg0, %c0_i32, %c0_i32_0 : i32, i32, i32
  }
  func.func @transform_3(%arg0: i32) -> (i32, i32) {
    %c0_i32 = arith.constant 0 : i32
    %c0_i32_0 = arith.constant 0 : i32
    %c0_i32_1 = arith.constant 0 : i32
    return %c0_i32, %c0_i32_0 : i32, i32
  }
}

</mosaic_0001>

<sc_bundles>
// kernel: kernel.4.cloned.1.call-start
scs
__scs_entry_jumppad:
0x0: {  	(pc) =	sbr.rel $0x88, $3  }
0x1: {  	(tag) =	ssettag $0x0;
	lr =	simm.s32 $0x1  }
0x2: {  	[smem:$0x3F9F] =	sst lr;
	_ =	strace $0xD0000000  }
0x3: {  	_ = 	snop  }
0x4: {  	_ = 	snop  }
0x5: {  	_ = 	snop  }
0x6: {  	_ = 	snop  }
0x7: {  	_ = 	snop  }
__scs_overlays_trampoline_lowered:
0x8: {  	[smem:$0x3FAE] =	sst s0  }
0x9: {  	[smem:$0x3FAF] =	sst s1  }
0xa: {  	[smem:$0x3FB0] =	sst s2  }
0xb: {  	[smem:$0x3FB1] =	sst s3  }
0xc: {  	[smem:$0x3FB2] =	sst s4  }
0xd: {  	[smem:$0x3FB3] =	sst s5  }
0xe: {  	[smem:$0x3FB4] =	sst s6  }
0xf: {  	[smem:$0x3FB5] =	sst s7  }
0x10: {  	[smem:$0x3FB6] =	sst s8  }
0x11: {  	[smem:$0x3FB7] =	sst s9;
	s0 =	simm.s32 @!p0 $0x0  }
0x12: {  	s1 =	sld [smem:$0x3F9D];
	s0 =	simm.s32 @p0 $0x1  }
0x13: {  	[smem:$0x3FB8] =	sst s0;
	s0 =	simm.s32 @!p1 $0x0  }
0x14: {  	s2 =	sld [smem:$0x3F9C];
	s0 =	simm.s32 @p1 $0x1  }
0x15: {  	[smem:$0x3FB9] =	sst s0;
	s0 =	simm.s32 @!p2 $0x0  }
0x16: {  	s3 =	sld [smem:$0x3FDB];
	s0 =	simm.s32 @p2 $0x1  }
0x17: {  	s4 =	simm.s32 $0x1BF5;
	[smem:$0x3FBB] =	sst s0  }
0x18: {  	s0 =	sld [smem:$0x3F9E];
	_ =	swait.ge [sflag:s4], $0x0  }
0x19: {  	s7 =	sld [smem:$0x3F9F]  }
0x1a: {  	s8 =	sadd.s32 $0xFFFFE003, lr  }
0x1b: {  	s9 =	sadd.s32 $0xFFFFFEF7, lr;
	s5 =	simm.s32 $0xFFFFFFFF;
	p2 =	slt.u32 s8, $0xFFFFF086  }
0x1c: {  	p1 =	slt.u32 s9, $0xF7A;
	s5 =	simm.s32 @!p2 $0x0  }
0x1d: {  	s5 =	simm.s32 @p1 $0x1;
	p0 =	seq.s32 s7, s2  }
0x1e: {  	s7 =	smul.u32 @!p0 $0xF7A, s2;
	p2 =	seq.s32 @!p0 s5, $0x0  }
0x1f: {  	s9 =	smul.u32 $0xF7A, s1;
	s8 =	simm.s32 @!p0 $0x1BF5;
	p2 =	por !p2, p0  }
0x20: {  	[sflag:s8] =	ssyncset.s32 @!p0 $0xFFFFF086;
	s6 =	sadd.s32 @!p0 s3, s7;
	s7 =	simm.s32 @!p0 $0x108  }
0x21: {  	s3 =	sadd.s32 s3, s9;
	s6 =	sadd.s32 @!p0 $0x88, s6;
	s7 =	simm.s32 @p2 $0x1082  }
0x22: {  	[simem:s7], [sflag:s8] =	dma.local @!p0 [hbm:s6], $0xF7A  }
0x23: {  	s9 =	sor.u32 $0xD0000000, s2;
	s6 =	simm.s32 $0x108;
	_ =	swait.ge @!p0 [sflag:s8], $0x0  }
0x24: {  	s3 =	sadd.s32 $0x88, s3;
	s6 =	simm.s32 @!p1 $0x1082;
	[sflag:s4] =	ssyncset.s32 $0xFFFFF086  }
0x25: {  	[simem:s6], [sflag:s4] =	dma.local [hbm:s3], $0xF7A  }
0x26: {  	[smem:$0x3F9F] =	sst s1;
	(tag) =	ssettag s2;
	_ =	strace s9  }
0x27: {  	s1 =	sld [smem:$0x3FAF]  }
0x28: {  	s2 =	sld [smem:$0x3FB0]  }
0x29: {  	s4 =	sld [smem:$0x3FB2]  }
0x2a: {  	p0 =	seq.s32 s5, $0x0;
	s5 =	sld [smem:$0x3FB3]  }
0x2b: {  	s6 =	sld [smem:$0x3FB4]  }
0x2c: {  	s7 =	sld [smem:$0x3FB5]  }
0x2d: {  	s3 =	simm.s32 $0x108;
	s8 =	sld [smem:$0x3FB6]  }
0x2e: {  	s3 =	simm.s32 @!p0 $0x1082;
	s9 =	sld [smem:$0x3FB7]  }
0x2f: {  	lr =	sadd.s32 s0, s3;
	s0 =	sld [smem:$0x3FAE]  }
0x30: {  	s3 =	sld [smem:$0x3FB1]  }
0x31: {  	[smem:$0x3FBA] =	sst s10  }
0x32: {  	s10 =	sld [smem:$0x3FB8];
	_ =	sdelay $0x3  }
0x33: {  	p0 =	seq.s32 s10, $0x1;
	s10 =	sld [smem:$0x3FBA];
	_ =	sdelay $0x3  }
0x34: {  	[smem:$0x3FBA] =	sst s10  }
0x35: {  	s10 =	sld [smem:$0x3FB9];
	_ =	sdelay $0x3  }
0x36: {  	p1 =	seq.s32 s10, $0x1;
	s10 =	sld [smem:$0x3FBA];
	_ =	sdelay $0x3  }
0x37: {  	[smem:$0x3FBA] =	sst s10  }
0x38: {  	s10 =	sld [smem:$0x3FBB]  }
0x39: {  	_ = 	snop;
	(pc) =	sbr.ind lr, $3  }
0x3a: {  	_ = 	snop  }
0x3b: {  	_ = 	snop  }
0x3c: {  	p2 =	seq.s32 s10, $0x1;
	s10 =	sld [smem:$0x3FBA]  }
0x3d: {  	_ =	shalt  }
0x3e: {  	_ =	shalt  }
0x3f: {  	_ =	shalt  }
0x40: {  	_ =	shalt  }
0x41: {  	_ =	shalt  }
0x42: {  	_ =	shalt  }
0x43: {  	_ =	shalt  }
0x44: {  	_ =	shalt  }
0x45: {  	_ =	shalt  }
0x46: {  	_ =	shalt  }
0x47: {  	_ =	shalt  }
0x48: {  	_ =	shalt  }
0x49: {  	_ =	shalt  }
0x4a: {  	_ =	shalt  }
0x4b: {  	_ =	shalt  }
0x4c: {  	_ =	shalt  }
0x4d: {  	_ =	shalt  }
0x4e: {  	_ =	shalt  }
0x4f: {  	_ =	shalt  }
0x50: {  	_ =	shalt  }
0x51: {  	_ =	shalt  }
0x52: {  	_ =	shalt  }
0x53: {  	_ =	shalt  }
0x54: {  	_ =	shalt  }
0x55: {  	_ =	shalt  }
0x56: {  	_ =	shalt  }
0x57: {  	_ =	shalt  }
0x58: {  	_ =	shalt  }
0x59: {  	_ =	shalt  }
0x5a: {  	_ =	shalt  }
0x5b: {  	_ =	shalt  }
0x5c: {  	_ =	shalt  }
0x5d: {  	_ =	shalt  }
0x5e: {  	_ =	shalt  }
0x5f: {  	_ =	shalt  }
0x60: {  	_ =	shalt  }
0x61: {  	_ =	shalt  }
0x62: {  	_ =	shalt  }
0x63: {  	_ =	shalt  }
0x64: {  	_ =	shalt  }
0x65: {  	_ =	shalt  }
0x66: {  	_ =	shalt  }
0x67: {  	_ =	shalt  }
0x68: {  	_ =	shalt  }
0x69: {  	_ =	shalt  }
0x6a: {  	_ =	shalt  }
0x6b: {  	_ =	shalt  }
0x6c: {  	_ =	shalt  }
0x6d: {  	_ =	shalt  }
0x6e: {  	_ =	shalt  }
0x6f: {  	_ =	shalt  }
0x70: {  	_ =	shalt  }
0x71: {  	_ =	shalt  }
0x72: {  	_ =	shalt  }
0x73: {  	_ =	shalt  }
0x74: {  	_ =	shalt  }
0x75: {  	_ =	shalt  }
0x76: {  	_ =	shalt  }
0x77: {  	_ =	shalt  }
0x78: {  	_ =	shalt  }
0x79: {  	_ =	shalt  }
0x7a: {  	_ =	shalt  }
0x7b: {  	_ =	shalt  }
0x7c: {  	_ =	shalt  }
0x7d: {  	_ =	shalt  }
0x7e: {  	_ =	shalt  }
0x7f: {  	_ =	shalt  }
0x80: {  	_ =	shalt  }
0x81: {  	_ =	shalt  }
0x82: {  	_ =	shalt  }
0x83: {  	_ =	shalt  }
0x84: {  	_ =	shalt  }
0x85: {  	_ =	shalt  }
0x86: {  	_ =	shalt  }
0x87: {  	_ =	shalt  }
.Lfunc_end0:
.L_simem_size_0:
called_computation_lowered:
.L_overlay_start_0:
0x88: {  	s2 =	sld [smem:$0x3FD9]  }
0x89: {  	s3 =	sld [smem:$0x3FFE];
	_ =	sdelay $0x1  }
0x8a: {  	s1 =	srdreg.scid  }
0x8b: {  	s0 =	sand.u32 $0x1, s1  }
0x8c: {  	s14 =	sshll.u32 s0, $0xA;
	s2 =	sadd.s32 s3, s2  }
0x8d: {  	s2 =	sadd.s32 s2, s14  }
0x8e: {  	[smem:$0x3FC6] =	sst s2  }
0x8f: {  	_ = 	snop  }
0x90: {  	s2 =	sld [smem:$0x3FD0];
	_ =	sdelay $0x2  }
0x91: {  	s15 =	simm.s32 $0xA;
	s4 =	simm.s32 $0x10  }
0x92: {  	[smem:s4], [sflag:s15] =	dma.local [hbm:s2], $0x1  }
0x93: {  	_ =	swait.eq [sflag:s15], $0x1  }
0x94: {  	[sflag:s15] =	ssyncset.done $0x0  }
0x95: {  	s16 =	sld [smem:$0x10];
	[sflag:s15] =	ssyncadd.s32 $0xFFFFFFFF  }
0x96: {  	s17 =	sld [smem:$0x12];
	(tm) =	ssettm $0x1  }
0x97: {  	s18 =	sld [smem:$0x3FFB];
	_ =	sdelay $0x3  }
0x98: {  	_ =	strace s18  }
0x99: {  	s4 =	sld [smem:$0x3FFC];
	_ =	sdelay $0x3  }
0x9a: {  	_ =	strace s4  }
0x9b: {  	s4 =	sld [smem:$0x3FFD];
	_ =	sdelay $0x3  }
0x9c: {  	_ =	strace s4  }
0x9d: {  	_ =	strace $0x8FFFFFFF  }
0x9e: {  	s19 =	sld [smem:$0x3FDB];
	_ =	sdelay $0x1  }
0x9f: {  	s5 =	simm.s32 $_scs_section_size  }
0xa0: {  	s6 =	simm.s32 $_size__tile_overlayer_lowered;
	s7 =	simm.s32 $_tile_overlayer_lowered  }
0xa1: {  	s22 =	simm.s32 $0x1BFF;
	s21 =	sshll.u32 s7, $0x1;
	s4 =	sadd.s32 s5, s19  }
0xa2: {  	s8 =	simm.s32 $0x0;
	s20 =	sshll.u32 s6, $0x1;
	s6 =	sadd.s32 s21, s4  }
0xa3: {  	[timem:s8], [sflag:s22] =	dma.local [hbm:s6], s20  }
0xa4: {  	_ =	swait.ge [sflag:s22], s20  }
0xa5: {  	s5 =	ssub.s32 $0x0, s20;
	[sflag:s22] =	ssyncset.done $0x0  }
0xa6: {  	[sflag:s22] =	ssyncadd.s32 s5;
	_ =	sdelay $0x1  }
0xa7: {  	s23 =	simm.s32 $0x1B8B  }
0xa8: {  	_ =	swait.ge [sflag:s23], $0x1  }
0xa9: {  	[sflag:s23] =	ssyncset.done $0x0  }
0xaa: {  	s25 =	simm.s32 $0x1B8E;
	s24 =	sld [smem:$0x3FFE];
	[sflag:s23] =	ssyncadd.s32 $0xFFFFFFFF  }
0xab: {  	s26 =	simm.s32 $execute0_lowered;
	[smem:$0x3FD2] =	sst s25  }
0xac: {  	s6 =	sshll.u32 s26, $0x1;
	_ =	strace $0x80000046;
	[dreg:$0x1] =	wrdreg $0xFFFFFFFF  }
0xad: {  	s28 =	simm.s32 $_size_execute0_lowered;
	s4 =	sadd.s32 s4, s6;
	[dreg:$0x0] =	wrdreg $0x0  }
0xae: {  	s6 =	sshll.u32 s28, $0x1;
	[dreg:$0x2] =	wrdreg s4  }
0xaf: {  	[dreg:$0x3] =	wrdreg s6  }
0xb0: {  	[dreg:$0x4] =	wrdreg $0xC0  }
0xb1: {  	_ =	task [dreg:s8], $0x5FFFF  }
0xb2: {  	[dreg:$0x1] =	wrdreg $0xFFFFFFFF  }
0xb3: {  	[dreg:$0x0] =	wrdreg $0x60  }
0xb4: {  	[dreg:$0x2] =	wrdreg s24  }
0xb5: {  	[dreg:$0x3] =	wrdreg s17  }
0xb6: {  	[dreg:$0x4] =	wrdreg s16  }
0xb7: {  	[dreg:$0x5] =	wrdreg $0x9  }
0xb8: {  	_ =	task.clear_ibuf [dreg:s8], $0x6FFFF;
	_ =	strace $0x90000046  }
0xb9: {  	s29 =	simm.s32 $0x9;
	_ =	strace $0x80000048  }
0xba: {  	_ =	swait.ge [sflag:s29], $0x1  }
0xbb: {  	[sflag:s29] =	ssyncadd.s32 $0xFFFFFFFF  }
0xbc: {  	_ =	strace $0x90000048  }
0xbd: {  	_ =	sfence  }
0xbe: {  	s30 =	sld [smem:$0x0];
	_ =	sdelay $0x2  }
0xbf: {  	s31 =	sshll.u32 s1, $0xD;
	s1 =	sshrl.u32 s1, $0x2  }
0xc0: {  	s3 =	sand.u32 $0x4000, s31;
	s1 =	sadd.s32 s1, s30  }
0xc1: {  	s0 =	sor.u32 s3, s0;
	s1 =	sshll.u32 s1, $0x11  }
0xc2: {  	s0 =	sor.u32 s1, s0  }
0xc3: {  	s0 =	sadd.s32 $0x8F2B, s0  }
0xc4: {  	[sflag:s0] =	ssyncadd.remote.s32 $0x1  }
0xc5: {  	_ =	sfence.sel $0xFFFF  }
0xc6: {  	[dreg:$0x0] =	wrdreg $0xFFFFFFFF;
	(pc) =	sbr.abs _section_cstart, $3  }
0xc7: {  	[dreg:$0x1] =	wrdreg $0xFFFFFFFF  }
0xc8: {  	_ =	task.clear_ibuf [dreg:s8], $0x2FFFF;
	_ =	strace $0x9FFFFFFF  }
0xc9: {  	(tm) =	ssettm $0x7FFFFFFF  }
tec
execute0_lowered:
.L_overlay_start_1:
0x0: {  	(tag) =	ssettag $0x1  }
0x1: {  	s5 =	rddreg [dreg:$0x0]  }
0x2: {  	s1 =	srdreg.scid;
	s0 =	stileid.u32  }
0x3: {  	s3 =	rddreg [dreg:$0x1];
	s24 =	sand.u32 $0x1, s1;
	s30 =	sshll.u32 s0, $0x1  }
0x4: {  	s25 =	rddreg [dreg:$0x2];
	s26 =	sor.u32 s24, s30  }
0x5: {  	s2 =	simm.s32 $0x0;
	s1 =	rddreg [dreg:$0x3];
	s4 =	smul.u32 $0x90, s26  }
0x6: {  	[smem:$0x7FF] =	sst s2  }
0x7: {  	_ =	strace $0x80000047;
	s4 =	sadd.s32 s3, s4;
	s3 =	simm.s32 $0x2  }
0x8: {  	[tilespmem:s2], [sflag:$0x2] =	stream.linear.gather [hbm4b:s4+s2], $0x480, $0x38;
	[tilespmem:$0x12480] =	vst v63  }
0x9: {  	_ =	swait.ge [sflag:s3], $0x480  }
0xa: {  	s6 =	simm.s32 $0x80;
	[sflag:s3] =	ssyncset.done $0x0  }
0xb: {  	s7 =	simm.s32 $0x480;
	s5 =	sadd.s32 $0x400, s5;
	[sflag:s3] =	ssyncadd.s32 $0xFFFFFB80  }
0xc: {  	[tilespmem:s7], [sflag:$0x1] =	stream.indirect.gather [hbm4b:s5+s6], $0x40, s2, s6, $0xb8;
	[tilespmem:$0x12480] =	vst v63  }
0xd: {  	s8 =	simm.s32 $0x2480  }
0xe: {  	[tilespmem:s8], [sflag:$0x1] =	stream.indirect.gather [hbm4b:s5+s6], $0x40, s6, s6, $0xb8;
	[tilespmem:$0x12480] =	vst v63  }
0xf: {  	s9 =	simm.s32 $0x100;
	s10 =	simm.s32 $0x4480  }
0x10: {  	[tilespmem:s10], [sflag:$0x1] =	stream.indirect.gather [hbm4b:s5+s6], $0x40, s9, s6, $0xb8;
	[tilespmem:$0x12480] =	vst v63  }
0x11: {  	s11 =	simm.s32 $0x180;
	s12 =	simm.s32 $0x6480  }
0x12: {  	[tilespmem:s12], [sflag:$0x1] =	stream.indirect.gather [hbm4b:s5+s6], $0x40, s11, s6, $0xb8;
	[tilespmem:$0x12480] =	vst v63  }
0x13: {  	s13 =	simm.s32 $0x200;
	s14 =	simm.s32 $0x8480  }
0x14: {  	[tilespmem:s14], [sflag:$0x1] =	stream.indirect.gather [hbm4b:s5+s6], $0x40, s13, s6, $0xb8;
	[tilespmem:$0x12480] =	vst v63  }
0x15: {  	s15 =	simm.s32 $0x280;
	s16 =	simm.s32 $0xA480  }
0x16: {  	[tilespmem:s16], [sflag:$0x1] =	stream.indirect.gather [hbm4b:s5+s6], $0x40, s15, s6, $0xb8;
	[tilespmem:$0x12480] =	vst v63  }
0x17: {  	s17 =	simm.s32 $0x300;
	s18 =	simm.s32 $0xC480  }
0x18: {  	[tilespmem:s18], [sflag:$0x1] =	stream.indirect.gather [hbm4b:s5+s6], $0x40, s17, s6, $0xb8;
	[tilespmem:$0x12480] =	vst v63  }
0x19: {  	s19 =	simm.s32 $0x380;
	s20 =	simm.s32 $0xE480  }
0x1a: {  	[tilespmem:s20], [sflag:$0x1] =	stream.indirect.gather [hbm4b:s5+s6], $0x40, s19, s6, $0xb8;
	[tilespmem:$0x12480] =	vst v63  }
0x1b: {  	s21 =	simm.s32 $0x400;
	s22 =	simm.s32 $0x10480;
	s23 =	simm.s32 $0x1  }
0x1c: {  	[tilespmem:s22], [sflag:$0x1] =	stream.indirect.gather [hbm4b:s5+s6], $0x40, s21, s6, $0xb8;
	[tilespmem:$0x12480] =	vst v63  }
0x1d: {  	_ =	swait.ge [sflag:s23], $0x2000  }
0x1e: {  	[sflag:s23] =	ssyncset.done $0x0  }
0x1f: {  	[sflag:s23] =	ssyncadd.s32 $0xFFFFE000  }
0x20: {  	_ =	swait.ge [sflag:s23], $0x2000  }
0x21: {  	[sflag:s23] =	ssyncset.done $0x0  }
0x22: {  	[sflag:s23] =	ssyncadd.s32 $0xFFFFE000  }
0x23: {  	_ =	swait.ge [sflag:s23], $0x2000  }
0x24: {  	[sflag:s23] =	ssyncset.done $0x0  }
0x25: {  	[sflag:s23] =	ssyncadd.s32 $0xFFFFE000  }
0x26: {  	_ =	swait.ge [sflag:s23], $0x2000  }
0x27: {  	[sflag:s23] =	ssyncset.done $0x0  }
0x28: {  	[sflag:s23] =	ssyncadd.s32 $0xFFFFE000  }
0x29: {  	_ =	swait.ge [sflag:s23], $0x2000  }
0x2a: {  	[sflag:s23] =	ssyncset.done $0x0  }
0x2b: {  	[sflag:s23] =	ssyncadd.s32 $0xFFFFE000  }
0x2c: {  	_ =	swait.ge [sflag:s23], $0x2000  }
0x2d: {  	[sflag:s23] =	ssyncset.done $0x0  }
0x2e: {  	[sflag:s23] =	ssyncadd.s32 $0xFFFFE000  }
0x2f: {  	_ =	swait.ge [sflag:s23], $0x2000  }
0x30: {  	[sflag:s23] =	ssyncset.done $0x0  }
0x31: {  	[sflag:s23] =	ssyncadd.s32 $0xFFFFE000  }
0x32: {  	s28 =	smul.u32 $0x2400, s26;
	_ =	swait.ge [sflag:s23], $0x2000  }
0x33: {  	s29 =	ssub.s32 $0x2, s24;
	s26 =	smul.u32 $0x12000, s26;
	[sflag:s23] =	ssyncset.done $0x0  }
0x34: {  	s31 =	sshrl.u32 s29, $0x1;
	[sflag:s23] =	ssyncadd.s32 $0xFFFFE000  }
0x35: {  	s24 =	sadd.s32 s25, s28;
	s26 =	sshrl.u32 s26, $0x3;
	_ =	swait.ge [sflag:s23], $0x2000  }
0x36: {  	s25 =	sadd.s32 s25, s26;
	s26 =	ssub.s32 s29, s31;
	[sflag:s23] =	ssyncset.done $0x0  }
0x37: {  	s28 =	smax.u32 s26, $0x1;
	[sflag:s23] =	ssyncadd.s32 $0xFFFFE000  }
0x38: {  	[hbm4b:s24+s2] =	stream.linear.scatter [tilespmem:s7], [sflag:$0x2], $0x9000, $0x38;
	[tilespmem:$0x12480] =	vst v63  }
0x39: {  	p0 =	sne.s32 s28, $0x1;
	_ =	swait.ge [sflag:s3], $0x9000  }
.Ltmp0:
0x3a: {  	[sflag:s3] =	ssyncset.done $0x0;
	(pc) =	sbr.rel @!p0 .LBB2_2-.Ltmp0, $4  }
0x3b: {  	s25 =	sadd.s32 $0x1200, s25;
	s26 =	simm.s32 $0x9480;
	[sflag:s3] =	ssyncadd.s32 $0xFFFF7000  }
0x3c: {  	[hbm4b:s25+s2] =	stream.linear.scatter [tilespmem:s26], [sflag:$0x2], $0x9000, $0x38;
	[tilespmem:$0x12480] =	vst v63  }
0x3d: {  	_ =	swait.ge [sflag:s3], $0x9000  }
0x3e: {  	s28 =	sadd.s32 $0xFFFFFFFF, s28;
	[sflag:s3] =	ssyncset.done $0x0  }
.LBB2_1:
0x3f: {  	p0 =	sne.s32 s28, $0x1;
	s28 =	sadd.s32 $0xFFFFFFFF, s28;
	[sflag:s3] =	ssyncadd.s32 $0xFFFF7000  }
0x40: {  	[tilespmem:s2], [sflag:$0x2] =	stream.linear.gather [hbm4b:s4+s2], $0x480, $0x38;
	[tilespmem:$0x12480] =	vst v63  }
0x41: {  	_ =	swait.ge [sflag:s3], $0x480  }
0x42: {  	[sflag:s3] =	ssyncset.done $0x0  }
0x43: {  	[sflag:s3] =	ssyncadd.s32 $0xFFFFFB80  }
0x44: {  	[tilespmem:s7], [sflag:$0x1] =	stream.indirect.gather [hbm4b:s5+s6], $0x40, s2, s6, $0xb8;
	[tilespmem:$0x12480] =	vst v63  }
0x45: {  	_ = 	snop  }
0x46: {  	[tilespmem:s8], [sflag:$0x1] =	stream.indirect.gather [hbm4b:s5+s6], $0x40, s6, s6, $0xb8;
	[tilespmem:$0x12480] =	vst v63  }
0x47: {  	_ = 	snop  }
0x48: {  	[tilespmem:s10], [sflag:$0x1] =	stream.indirect.gather [hbm4b:s5+s6], $0x40, s9, s6, $0xb8;
	[tilespmem:$0x12480] =	vst v63  }
0x49: {  	_ = 	snop  }
0x4a: {  	[tilespmem:s12], [sflag:$0x1] =	stream.indirect.gather [hbm4b:s5+s6], $0x40, s11, s6, $0xb8;
	[tilespmem:$0x12480] =	vst v63  }
0x4b: {  	_ = 	snop  }
0x4c: {  	[tilespmem:s14], [sflag:$0x1] =	stream.indirect.gather [hbm4b:s5+s6], $0x40, s13, s6, $0xb8;
	[tilespmem:$0x12480] =	vst v63  }
0x4d: {  	_ = 	snop  }
0x4e: {  	[tilespmem:s16], [sflag:$0x1] =	stream.indirect.gather [hbm4b:s5+s6], $0x40, s15, s6, $0xb8;
	[tilespmem:$0x12480] =	vst v63  }
0x4f: {  	_ = 	snop  }
0x50: {  	[tilespmem:s18], [sflag:$0x1] =	stream.indirect.gather [hbm4b:s5+s6], $0x40, s17, s6, $0xb8;
	[tilespmem:$0x12480] =	vst v63  }
0x51: {  	_ = 	snop  }
0x52: {  	[tilespmem:s20], [sflag:$0x1] =	stream.indirect.gather [hbm4b:s5+s6], $0x40, s19, s6, $0xb8;
	[tilespmem:$0x12480] =	vst v63  }
0x53: {  	_ = 	snop  }
0x54: {  	[tilespmem:s22], [sflag:$0x1] =	stream.indirect.gather [hbm4b:s5+s6], $0x40, s21, s6, $0xb8;
	[tilespmem:$0x12480] =	vst v63  }
0x55: {  	_ =	swait.ge [sflag:s23], $0x2000  }
0x56: {  	[sflag:s23] =	ssyncset.done $0x0  }
0x57: {  	[sflag:s23] =	ssyncadd.s32 $0xFFFFE000  }
0x58: {  	_ =	swait.ge [sflag:s23], $0x2000  }
0x59: {  	[sflag:s23] =	ssyncset.done $0x0  }
0x5a: {  	[sflag:s23] =	ssyncadd.s32 $0xFFFFE000  }
0x5b: {  	_ =	swait.ge [sflag:s23], $0x2000  }
0x5c: {  	[sflag:s23] =	ssyncset.done $0x0  }
0x5d: {  	[sflag:s23] =	ssyncadd.s32 $0xFFFFE000  }
0x5e: {  	_ =	swait.ge [sflag:s23], $0x2000  }
0x5f: {  	[sflag:s23] =	ssyncset.done $0x0  }
0x60: {  	[sflag:s23] =	ssyncadd.s32 $0xFFFFE000  }
0x61: {  	_ =	swait.ge [sflag:s23], $0x2000  }
0x62: {  	[sflag:s23] =	ssyncset.done $0x0  }
0x63: {  	[sflag:s23] =	ssyncadd.s32 $0xFFFFE000  }
0x64: {  	_ =	swait.ge [sflag:s23], $0x2000  }
0x65: {  	[sflag:s23] =	ssyncset.done $0x0  }
0x66: {  	[sflag:s23] =	ssyncadd.s32 $0xFFFFE000  }
0x67: {  	_ =	swait.ge [sflag:s23], $0x2000  }
0x68: {  	[sflag:s23] =	ssyncset.done $0x0  }
0x69: {  	[sflag:s23] =	ssyncadd.s32 $0xFFFFE000  }
0x6a: {  	_ =	swait.ge [sflag:s23], $0x2000  }
0x6b: {  	[sflag:s23] =	ssyncset.done $0x0  }
0x6c: {  	[sflag:s23] =	ssyncadd.s32 $0xFFFFE000  }
0x6d: {  	_ =	swait.ge [sflag:s23], $0x2000  }
0x6e: {  	[sflag:s23] =	ssyncset.done $0x0  }
0x6f: {  	[sflag:s23] =	ssyncadd.s32 $0xFFFFE000  }
0x70: {  	[hbm4b:s24+s2] =	stream.linear.scatter [tilespmem:s7], [sflag:$0x2], $0x9000, $0x38;
	[tilespmem:$0x12480] =	vst v63  }
0x71: {  	_ =	swait.ge [sflag:s3], $0x9000  }
.Ltmp1:
0x72: {  	[sflag:s3] =	ssyncset.done $0x0;
	(pc) =	sbr.rel @p0 .LBB2_1-.Ltmp1, $4  }
0x73: {  	[sflag:s3] =	ssyncadd.s32 $0xFFFF7000  }
0x74: {  	[hbm4b:s25+s2] =	stream.linear.scatter [tilespmem:s26], [sflag:$0x2], $0x9000, $0x38;
	[tilespmem:$0x12480] =	vst v63  }
0x75: {  	_ =	swait.ge [sflag:s3], $0x9000  }
0x76: {  	[sflag:s3] =	ssyncset.done $0x0  }
.LBB2_2:
0x77: {  	[sflag:s3] =	ssyncadd.s32 $0xFFFF7000  }
0x78: {  	_ =	sfence.sel $0x180000  }
0x79: {  	[bflag:$0x0] =	sbarrier.arrive $0xFFFF  }
0x7a: {  	p0 =	sne.s32 s0, $0x0;
	_ =	strace $0x90000047  }
0x7b: {  	s0 =	sadd.s32 @!p0 $0x100000, s1;
	[bflag:$0x2] =	sbarrier.arrive $0xFFFF  }
0x7c: {  	[sflag:s0] =	ssyncadd.tile.s32 @!p0 $0x1;
	_ =	shalt  }
.Lfunc_end2:
_tile_overlayer_lowered:
.L_overlay_start_2:
0x7d: {  	(tag) =	ssettag $0x2  }
0x7e: {  	s0 =	rddreg [dreg:$0x0];
	s2 =	stileid.u32  }
0x7f: {  	s1 =	rddreg [dreg:$0x1];
	p0 =	sne.s32 s2, $0x0  }
0x80: {  	s3 =	rddreg [dreg:$0x2];
	[bflag:$0x3] =	sbarrier.arrive $0xFFFF;
	s2 =	simm.s32 @!p0 $0x1C02  }
0x81: {  	[timem:s3], [sflag:s2] =	dma.local @!p0 [hbm:s0], s1  }
0x82: {  	s0 =	simm.s32 @!p0 $0x2  }
0x83: {  	_ =	swait.ge @!p0 [sflag:s0], s1  }
0x84: {  	s1 =	ssub.s32 @!p0 $0x0, s1;
	[sflag:s0] =	ssyncset.done @!p0 $0x0  }
0x85: {  	[sflag:s0] =	ssyncadd.s32 @!p0 s1  }
0x86: {  	[bflag:$0x3] =	sbarrier.arrive $0xFFFF  }
0x87: {  	_ =	shalt  }

</sc_bundles>
